<compile_context>
chip_gen: v7x
topology: tpu7x:2x2x1
jax: 0.10.2.dev20260603
libtpu: 0.0.44.dev20260713+nightly
codegen_flags: <defaults>
</compile_context>

<pallas_src>
import functools

import jax
import jax.numpy as jnp
from jax import lax
from jax.experimental import pallas as pl
from jax.experimental.pallas import tpu as pltpu
from jax.experimental.pallas import tpu_sc as plsc

_NC, _NS = 2, 16
_NW = _NC * _NS
_CH = 32


def kernel(arr, index, element):
    M, N = arr.shape
    rpt = M // _NW
    nchunk = rpt // _CH
    idx16 = jnp.full((16,), index, dtype=jnp.int32)
    elem2d = element.reshape((1, N))
    mesh = plsc.VectorSubcoreMesh(core_axis_name="c", subcore_axis_name="s")

    @functools.partial(
        pl.kernel,
        out_type=jax.ShapeDtypeStruct((M, N), arr.dtype),
        mesh=mesh,
        scratch_types=[
            pltpu.VMEM((16,), jnp.int32),
            pltpu.VMEM((_CH, N), jnp.float32),
            pltpu.VMEM((_CH, N), jnp.float32),
            pltpu.SemaphoreType.DMA,
            pltpu.SemaphoreType.DMA,
            pltpu.SemaphoreType.DMA,
            pltpu.SemaphoreType.DMA,
        ],
    )
    def run(arr_hbm, idx_hbm, elem_hbm, out_hbm, idx_v, buf0, buf1,
            gs0, gs1, ss0, ss1):
        wid = lax.axis_index("s") * _NC + lax.axis_index("c")
        base = wid * rpt
        pltpu.sync_copy(idx_hbm, idx_v)
        local = idx_v[...][0] - base
        bufs = (buf0, buf1)
        gsems = (gs0, gs1)
        ssems = (ss0, ss1)

        gathers = [None, None]
        scatters = [None, None]
        for k in range(nchunk + 1):
            if k < nchunk:
                cur = k & 1
                if k >= 2:
                    scatters[cur].wait()
                gathers[cur] = pltpu.async_copy(
                    arr_hbm.at[pl.ds(base + k * _CH, _CH)], bufs[cur],
                    gsems[cur])
            if k >= 1:
                j = k - 1
                cur = j & 1
                gathers[cur].wait()

                @pl.when((local >= j * _CH) & (local < (j + 1) * _CH))
                def _(cur=cur, j=j):
                    pltpu.sync_copy(elem_hbm,
                                    bufs[cur].at[pl.ds(local - j * _CH, 1)])

                scatters[cur] = pltpu.async_copy(
                    bufs[cur], out_hbm.at[pl.ds(base + j * _CH, _CH)],
                    ssems[cur])
        scatters[0].wait()
        scatters[1].wait()

    return run(arr, idx16, elem2d)

# --- scband reference (transcript-rebuilt; emitter-appended) ---
"""Pipeline reference for scband-assign-index-21844203667947 (READ-ONLY COPY).

The authoritative reference and input builder live on the scoring server;
editing this copy changes nothing except your own understanding.
"""

import jax, jax.numpy as jnp
import numpy as np


def setup_inputs(seed: int = 0) -> dict:
    key = jax.random.key(seed)
    k1, k2 = jax.random.split(key)
    arr = jax.random.normal(k1, (4096, 1024), dtype=jnp.float32)
    element = jax.random.normal(k2, (1024,), dtype=jnp.float32)
    index = 1234  # python int scalar, in-range [0, 4096)
    return {"arr": arr, "index": index, "element": element}


def reference(arr, index, element):
    # Faithful translation of AssignIndex.forward
    arr_shape = arr.shape
    M = arr_shape[0]
    # torch.eye(M)[index] row == one-hot at `index`
    pos_mask = jnp.eye(M, dtype=arr.dtype)[index]
    neg_mask = 1.0 - pos_mask
    if len(arr_shape) > 1:
        pos_mask = pos_mask.reshape((-1,) + (1,) * (len(arr_shape) - 1))
        neg_mask = neg_mask.reshape((-1,) + (1,) * (len(arr_shape) - 1))
        if element.ndim == 0:
            element = jnp.broadcast_to(element, arr_shape[1:])
        tiled_element = jnp.broadcast_to(element[None, ...], arr_shape)
    else:
        tiled_element = jnp.broadcast_to(element, arr_shape)
    result = arr * neg_mask + tiled_element * pos_mask
    return result

if __name__ == "__main__":
    import jax
    _d = setup_inputs()
    print(jax.jit(kernel)(*tuple(_d.values())))

</pallas_src>

<mosaic_0001>
#map = affine_map<(d0, d1) -> (0, 0)>
#map1 = affine_map<(d0, d1) -> (0)>
module attributes {stable_mosaic.version = 14 : i64} {
  func.func @run(%arg0: i32, %arg1: i32, %arg2: memref<4096x1024xf32, #tpu.memory_space<hbm>>, %arg3: memref<16xi32, #tpu.memory_space<hbm>>, %arg4: memref<1x1024xf32, #tpu.memory_space<hbm>>, %arg5: memref<4096x1024xf32, #tpu.memory_space<hbm>>, %arg6: memref<16xi32, #tpu.memory_space<vmem>>, %arg7: memref<32x1024xf32, #tpu.memory_space<vmem>>, %arg8: memref<32x1024xf32, #tpu.memory_space<vmem>>, %arg9: memref<!tpu.dma_semaphore, #tpu.memory_space<semaphore_mem>>, %arg10: memref<!tpu.dma_semaphore, #tpu.memory_space<semaphore_mem>>, %arg11: memref<!tpu.dma_semaphore, #tpu.memory_space<semaphore_mem>>, %arg12: memref<!tpu.dma_semaphore, #tpu.memory_space<semaphore_mem>>) attributes {dimension_semantics = [#tpu.dimension_semantics<core_parallel>, #tpu.dimension_semantics<subcore_parallel>], iteration_bounds = array<i64: 2, 16>, scalar_prefetch = 0 : i64, scratch_operands = 7 : i64, tpu.core_type = #tpu.core_type<sc_vector_subcore>, window_params = [{transform_indices = #map}, {transform_indices = #map1}, {transform_indices = #map}, {transform_indices = #map}]} {
    %mul3A = arith.constant 2 : i32
    %mul3A_0 = arith.muli %arg1, %mul3A : i32
    %add3A = arith.addi %mul3A_0, %arg0 : i32
    %mul3A_1 = arith.constant 128 : i32
    %mul3A_2 = arith.muli %add3A, %mul3A_1 : i32
    "tpu.region"() ({
      %run_scoped3A = tpu.sem_alloc : memref<!tpu.dma_semaphore, #tpu.memory_space<semaphore_mem>>
      tpu.enqueue_dma source(%arg3 : memref<16xi32, #tpu.memory_space<hbm>>) target(%arg6 : memref<16xi32, #tpu.memory_space<vmem>>) target_semaphore(%run_scoped3A : memref<!tpu.dma_semaphore, #tpu.memory_space<semaphore_mem>>)
      tpu.wait_dma2 semaphore(%run_scoped3A : memref<!tpu.dma_semaphore, #tpu.memory_space<semaphore_mem>>) src(%arg3 : memref<16xi32, #tpu.memory_space<hbm>>) dst(%arg6 : memref<16xi32, #tpu.memory_space<vmem>>)
      tpu.yield
    }) : () -> ()
    %get3A = arith.constant 0 : index
    %get3A_3 = tpu.vector_load %arg6[%get3A] {strides = array<i32>} : memref<16xi32, #tpu.memory_space<vmem>>, vector<16xi32>,
    %get3A_4 = vector.shape_cast %get3A_3 : vector<16xi32> to vector<16xi32>
    %slice3A = vector.extract_strided_slice %get3A_4 {offsets = [0], sizes = [1], strides = [1]} : vector<16xi32> to vector<1xi32>
    %squeeze3A = vector.extract %slice3A[0] : i32 from vector<1xi32>
    %sub3A = arith.subi %squeeze3A, %mul3A_2 : i32
    %add3A_5 = arith.constant 0 : i32
    %add3A_6 = arith.addi %mul3A_2, %add3A_5 : i32
    %dma_start3A = arith.constant 0 : i32
    %dma_start3A_7 = tpu.memref_slice %arg2[%add3A_6, %dma_start3A] : memref<4096x1024xf32, #tpu.memory_space<hbm>> -> memref<32x1024xf32, #tpu.memory_space<hbm>>
    %dma_start3A_8 = arith.constant 0 : i32
    %dma_start3A_9 = tpu.memref_slice %arg2[%add3A_6, %dma_start3A_8] : memref<4096x1024xf32, #tpu.memory_space<hbm>> -> memref<32x1024xf32, #tpu.memory_space<hbm>>
    tpu.enqueue_dma source(%dma_start3A_9 : memref<32x1024xf32, #tpu.memory_space<hbm>>) target(%arg7 : memref<32x1024xf32, #tpu.memory_space<vmem>>) target_semaphore(%arg9 : memref<!tpu.dma_semaphore, #tpu.memory_space<semaphore_mem>>)
    %add3A_10 = arith.constant 32 : i32
    %add3A_11 = arith.addi %mul3A_2, %add3A_10 : i32
    %dma_start3A_12 = arith.constant 0 : i32
    %dma_start3A_13 = tpu.memref_slice %arg2[%add3A_11, %dma_start3A_12] : memref<4096x1024xf32, #tpu.memory_space<hbm>> -> memref<32x1024xf32, #tpu.memory_space<hbm>>
    %dma_start3A_14 = arith.constant 0 : i32
    %dma_start3A_15 = tpu.memref_slice %arg2[%add3A_11, %dma_start3A_14] : memref<4096x1024xf32, #tpu.memory_space<hbm>> -> memref<32x1024xf32, #tpu.memory_space<hbm>>
    tpu.enqueue_dma source(%dma_start3A_15 : memref<32x1024xf32, #tpu.memory_space<hbm>>) target(%arg8 : memref<32x1024xf32, #tpu.memory_space<vmem>>) target_semaphore(%arg10 : memref<!tpu.dma_semaphore, #tpu.memory_space<semaphore_mem>>)
    %dma_wait3A = arith.constant 0 : i32
    %dma_wait3A_16 = tpu.memref_slice %arg2[%add3A_6, %dma_wait3A] : memref<4096x1024xf32, #tpu.memory_space<hbm>> -> memref<32x1024xf32, #tpu.memory_space<hbm>>
    %dma_wait3A_17 = arith.constant 0 : i32
    %dma_wait3A_18 = tpu.memref_slice %arg2[%add3A_6, %dma_wait3A_17] : memref<4096x1024xf32, #tpu.memory_space<hbm>> -> memref<32x1024xf32, #tpu.memory_space<hbm>>
    tpu.wait_dma2 semaphore(%arg9 : memref<!tpu.dma_semaphore, #tpu.memory_space<semaphore_mem>>) src(%dma_wait3A_18 : memref<32x1024xf32, #tpu.memory_space<hbm>>) dst(%arg7 : memref<32x1024xf32, #tpu.memory_space<vmem>>)
    %ge3A = arith.constant 0 : i32
    %ge3A_19 = arith.cmpi sge, %sub3A, %ge3A : i32
    %lt3A = arith.constant 32 : i32
    %lt3A_20 = arith.cmpi slt, %sub3A, %lt3A : i32
    %and3A = arith.andi %ge3A_19, %lt3A_20 : i1
    %convert_element_type3A = arith.extui %and3A : i1 to i32
    %cond3A = arith.constant 0 : i32
    %cond3A_21 = arith.cmpi ne, %convert_element_type3A, %cond3A : i32
    scf.if %cond3A_21 {
      %sub3A_110 = arith.constant 0 : i32
      %sub3A_111 = arith.subi %sub3A, %sub3A_110 : i32
      "tpu.region"() ({
        %run_scoped3A = tpu.sem_alloc : memref<!tpu.dma_semaphore, #tpu.memory_space<semaphore_mem>>
        %dma_start3A_112 = arith.constant 0 : i32
        %dma_start3A_113 = tpu.memref_slice %arg7[%sub3A_111, %dma_start3A_112] : memref<32x1024xf32, #tpu.memory_space<vmem>> -> memref<1x1024xf32, #tpu.memory_space<vmem>>
        %dma_start3A_114 = arith.constant 0 : i32
        %dma_start3A_115 = tpu.memref_slice %arg7[%sub3A_111, %dma_start3A_114] : memref<32x1024xf32, #tpu.memory_space<vmem>> -> memref<1x1024xf32, #tpu.memory_space<vmem>>
        tpu.enqueue_dma source(%arg4 : memref<1x1024xf32, #tpu.memory_space<hbm>>) target(%dma_start3A_115 : memref<1x1024xf32, #tpu.memory_space<vmem>>) target_semaphore(%run_scoped3A : memref<!tpu.dma_semaphore, #tpu.memory_space<semaphore_mem>>)
        %dma_wait3A_116 = arith.constant 0 : i32
        %dma_wait3A_117 = tpu.memref_slice %arg7[%sub3A_111, %dma_wait3A_116] : memref<32x1024xf32, #tpu.memory_space<vmem>> -> memref<1x1024xf32, #tpu.memory_space<vmem>>
        %dma_wait3A_118 = arith.constant 0 : i32
        %dma_wait3A_119 = tpu.memref_slice %arg7[%sub3A_111, %dma_wait3A_118] : memref<32x1024xf32, #tpu.memory_space<vmem>> -> memref<1x1024xf32, #tpu.memory_space<vmem>>
        tpu.wait_dma2 semaphore(%run_scoped3A : memref<!tpu.dma_semaphore, #tpu.memory_space<semaphore_mem>>) src(%arg4 : memref<1x1024xf32, #tpu.memory_space<hbm>>) dst(%dma_wait3A_119 : memref<1x1024xf32, #tpu.memory_space<vmem>>)
        tpu.yield
      }) : () -> ()
    } else {
    }
    %add3A_22 = arith.constant 0 : i32
    %add3A_23 = arith.addi %mul3A_2, %add3A_22 : i32
    %dma_start3A_24 = arith.constant 0 : i32
    %dma_start3A_25 = tpu.memref_slice %arg5[%add3A_23, %dma_start3A_24] : memref<4096x1024xf32, #tpu.memory_space<hbm>> -> memref<32x1024xf32, #tpu.memory_space<hbm>>
    %dma_start3A_26 = arith.constant 0 : i32
    %dma_start3A_27 = tpu.memref_slice %arg5[%add3A_23, %dma_start3A_26] : memref<4096x1024xf32, #tpu.memory_space<hbm>> -> memref<32x1024xf32, #tpu.memory_space<hbm>>
    tpu.enqueue_dma source(%arg7 : memref<32x1024xf32, #tpu.memory_space<vmem>>) target(%dma_start3A_27 : memref<32x1024xf32, #tpu.memory_space<hbm>>) target_semaphore(%arg11 : memref<!tpu.dma_semaphore, #tpu.memory_space<semaphore_mem>>)
    %dma_wait3A_28 = arith.constant 0 : i32
    %dma_wait3A_29 = tpu.memref_slice %arg5[%add3A_23, %dma_wait3A_28] : memref<4096x1024xf32, #tpu.memory_space<hbm>> -> memref<32x1024xf32, #tpu.memory_space<hbm>>
    %dma_wait3A_30 = arith.constant 0 : i32
    %dma_wait3A_31 = tpu.memref_slice %arg5[%add3A_23, %dma_wait3A_30] : memref<4096x1024xf32, #tpu.memory_space<hbm>> -> memref<32x1024xf32, #tpu.memory_space<hbm>>
    tpu.wait_dma2 semaphore(%arg11 : memref<!tpu.dma_semaphore, #tpu.memory_space<semaphore_mem>>) src(%arg7 : memref<32x1024xf32, #tpu.memory_space<vmem>>) dst(%dma_wait3A_31 : memref<32x1024xf32, #tpu.memory_space<hbm>>)
    %add3A_32 = arith.constant 64 : i32
    %add3A_33 = arith.addi %mul3A_2, %add3A_32 : i32
    %dma_start3A_34 = arith.constant 0 : i32
    %dma_start3A_35 = tpu.memref_slice %arg2[%add3A_33, %dma_start3A_34] : memref<4096x1024xf32, #tpu.memory_space<hbm>> -> memref<32x1024xf32, #tpu.memory_space<hbm>>
    %dma_start3A_36 = arith.constant 0 : i32
    %dma_start3A_37 = tpu.memref_slice %arg2[%add3A_33, %dma_start3A_36] : memref<4096x1024xf32, #tpu.memory_space<hbm>> -> memref<32x1024xf32, #tpu.memory_space<hbm>>
    tpu.enqueue_dma source(%dma_start3A_37 : memref<32x1024xf32, #tpu.memory_space<hbm>>) target(%arg7 : memref<32x1024xf32, #tpu.memory_space<vmem>>) target_semaphore(%arg9 : memref<!tpu.dma_semaphore, #tpu.memory_space<semaphore_mem>>)
    %dma_wait3A_38 = arith.constant 0 : i32
    %dma_wait3A_39 = tpu.memref_slice %arg2[%add3A_11, %dma_wait3A_38] : memref<4096x1024xf32, #tpu.memory_space<hbm>> -> memref<32x1024xf32, #tpu.memory_space<hbm>>
    %dma_wait3A_40 = arith.constant 0 : i32
    %dma_wait3A_41 = tpu.memref_slice %arg2[%add3A_11, %dma_wait3A_40] : memref<4096x1024xf32, #tpu.memory_space<hbm>> -> memref<32x1024xf32, #tpu.memory_space<hbm>>
    tpu.wait_dma2 semaphore(%arg10 : memref<!tpu.dma_semaphore, #tpu.memory_space<semaphore_mem>>) src(%dma_wait3A_41 : memref<32x1024xf32, #tpu.memory_space<hbm>>) dst(%arg8 : memref<32x1024xf32, #tpu.memory_space<vmem>>)
    %ge3A_42 = arith.constant 32 : i32
    %ge3A_43 = arith.cmpi sge, %sub3A, %ge3A_42 : i32
    %lt3A_44 = arith.constant 64 : i32
    %lt3A_45 = arith.cmpi slt, %sub3A, %lt3A_44 : i32
    %and3A_46 = arith.andi %ge3A_43, %lt3A_45 : i1
    %convert_element_type3A_47 = arith.extui %and3A_46 : i1 to i32
    %cond3A_48 = arith.constant 0 : i32
    %cond3A_49 = arith.cmpi ne, %convert_element_type3A_47, %cond3A_48 : i32
    scf.if %cond3A_49 {
      %sub3A_110 = arith.constant 32 : i32
      %sub3A_111 = arith.subi %sub3A, %sub3A_110 : i32
      "tpu.region"() ({
        %run_scoped3A = tpu.sem_alloc : memref<!tpu.dma_semaphore, #tpu.memory_space<semaphore_mem>>
        %dma_start3A_112 = arith.constant 0 : i32
        %dma_start3A_113 = tpu.memref_slice %arg8[%sub3A_111, %dma_start3A_112] : memref<32x1024xf32, #tpu.memory_space<vmem>> -> memref<1x1024xf32, #tpu.memory_space<vmem>>
        %dma_start3A_114 = arith.constant 0 : i32
        %dma_start3A_115 = tpu.memref_slice %arg8[%sub3A_111, %dma_start3A_114] : memref<32x1024xf32, #tpu.memory_space<vmem>> -> memref<1x1024xf32, #tpu.memory_space<vmem>>
        tpu.enqueue_dma source(%arg4 : memref<1x1024xf32, #tpu.memory_space<hbm>>) target(%dma_start3A_115 : memref<1x1024xf32, #tpu.memory_space<vmem>>) target_semaphore(%run_scoped3A : memref<!tpu.dma_semaphore, #tpu.memory_space<semaphore_mem>>)
        %dma_wait3A_116 = arith.constant 0 : i32
        %dma_wait3A_117 = tpu.memref_slice %arg8[%sub3A_111, %dma_wait3A_116] : memref<32x1024xf32, #tpu.memory_space<vmem>> -> memref<1x1024xf32, #tpu.memory_space<vmem>>
        %dma_wait3A_118 = arith.constant 0 : i32
        %dma_wait3A_119 = tpu.memref_slice %arg8[%sub3A_111, %dma_wait3A_118] : memref<32x1024xf32, #tpu.memory_space<vmem>> -> memref<1x1024xf32, #tpu.memory_space<vmem>>
        tpu.wait_dma2 semaphore(%run_scoped3A : memref<!tpu.dma_semaphore, #tpu.memory_space<semaphore_mem>>) src(%arg4 : memref<1x1024xf32, #tpu.memory_space<hbm>>) dst(%dma_wait3A_119 : memref<1x1024xf32, #tpu.memory_space<vmem>>)
        tpu.yield
      }) : () -> ()
    } else {
    }
    %add3A_50 = arith.constant 32 : i32
    %add3A_51 = arith.addi %mul3A_2, %add3A_50 : i32
    %dma_start3A_52 = arith.constant 0 : i32
    %dma_start3A_53 = tpu.memref_slice %arg5[%add3A_51, %dma_start3A_52] : memref<4096x1024xf32, #tpu.memory_space<hbm>> -> memref<32x1024xf32, #tpu.memory_space<hbm>>
    %dma_start3A_54 = arith.constant 0 : i32
    %dma_start3A_55 = tpu.memref_slice %arg5[%add3A_51, %dma_start3A_54] : memref<4096x1024xf32, #tpu.memory_space<hbm>> -> memref<32x1024xf32, #tpu.memory_space<hbm>>
    tpu.enqueue_dma source(%arg8 : memref<32x1024xf32, #tpu.memory_space<vmem>>) target(%dma_start3A_55 : memref<32x1024xf32, #tpu.memory_space<hbm>>) target_semaphore(%arg12 : memref<!tpu.dma_semaphore, #tpu.memory_space<semaphore_mem>>)
    %dma_wait3A_56 = arith.constant 0 : i32
    %dma_wait3A_57 = tpu.memref_slice %arg5[%add3A_51, %dma_wait3A_56] : memref<4096x1024xf32, #tpu.memory_space<hbm>> -> memref<32x1024xf32, #tpu.memory_space<hbm>>
    %dma_wait3A_58 = arith.constant 0 : i32
    %dma_wait3A_59 = tpu.memref_slice %arg5[%add3A_51, %dma_wait3A_58] : memref<4096x1024xf32, #tpu.memory_space<hbm>> -> memref<32x1024xf32, #tpu.memory_space<hbm>>
    tpu.wait_dma2 semaphore(%arg12 : memref<!tpu.dma_semaphore, #tpu.memory_space<semaphore_mem>>) src(%arg8 : memref<32x1024xf32, #tpu.memory_space<vmem>>) dst(%dma_wait3A_59 : memref<32x1024xf32, #tpu.memory_space<hbm>>)
    %add3A_60 = arith.constant 96 : i32
    %add3A_61 = arith.addi %mul3A_2, %add3A_60 : i32
    %dma_start3A_62 = arith.constant 0 : i32
    %dma_start3A_63 = tpu.memref_slice %arg2[%add3A_61, %dma_start3A_62] : memref<4096x1024xf32, #tpu.memory_space<hbm>> -> memref<32x1024xf32, #tpu.memory_space<hbm>>
    %dma_start3A_64 = arith.constant 0 : i32
    %dma_start3A_65 = tpu.memref_slice %arg2[%add3A_61, %dma_start3A_64] : memref<4096x1024xf32, #tpu.memory_space<hbm>> -> memref<32x1024xf32, #tpu.memory_space<hbm>>
    tpu.enqueue_dma source(%dma_start3A_65 : memref<32x1024xf32, #tpu.memory_space<hbm>>) target(%arg8 : memref<32x1024xf32, #tpu.memory_space<vmem>>) target_semaphore(%arg10 : memref<!tpu.dma_semaphore, #tpu.memory_space<semaphore_mem>>)
    %dma_wait3A_66 = arith.constant 0 : i32
    %dma_wait3A_67 = tpu.memref_slice %arg2[%add3A_33, %dma_wait3A_66] : memref<4096x1024xf32, #tpu.memory_space<hbm>> -> memref<32x1024xf32, #tpu.memory_space<hbm>>
    %dma_wait3A_68 = arith.constant 0 : i32
    %dma_wait3A_69 = tpu.memref_slice %arg2[%add3A_33, %dma_wait3A_68] : memref<4096x1024xf32, #tpu.memory_space<hbm>> -> memref<32x1024xf32, #tpu.memory_space<hbm>>
    tpu.wait_dma2 semaphore(%arg9 : memref<!tpu.dma_semaphore, #tpu.memory_space<semaphore_mem>>) src(%dma_wait3A_69 : memref<32x1024xf32, #tpu.memory_space<hbm>>) dst(%arg7 : memref<32x1024xf32, #tpu.memory_space<vmem>>)
    %ge3A_70 = arith.constant 64 : i32
    %ge3A_71 = arith.cmpi sge, %sub3A, %ge3A_70 : i32
    %lt3A_72 = arith.constant 96 : i32
    %lt3A_73 = arith.cmpi slt, %sub3A, %lt3A_72 : i32
    %and3A_74 = arith.andi %ge3A_71, %lt3A_73 : i1
    %convert_element_type3A_75 = arith.extui %and3A_74 : i1 to i32
    %cond3A_76 = arith.constant 0 : i32
    %cond3A_77 = arith.cmpi ne, %convert_element_type3A_75, %cond3A_76 : i32
    scf.if %cond3A_77 {
      %sub3A_110 = arith.constant 64 : i32
      %sub3A_111 = arith.subi %sub3A, %sub3A_110 : i32
      "tpu.region"() ({
        %run_scoped3A = tpu.sem_alloc : memref<!tpu.dma_semaphore, #tpu.memory_space<semaphore_mem>>
        %dma_start3A_112 = arith.constant 0 : i32
        %dma_start3A_113 = tpu.memref_slice %arg7[%sub3A_111, %dma_start3A_112] : memref<32x1024xf32, #tpu.memory_space<vmem>> -> memref<1x1024xf32, #tpu.memory_space<vmem>>
        %dma_start3A_114 = arith.constant 0 : i32
        %dma_start3A_115 = tpu.memref_slice %arg7[%sub3A_111, %dma_start3A_114] : memref<32x1024xf32, #tpu.memory_space<vmem>> -> memref<1x1024xf32, #tpu.memory_space<vmem>>
        tpu.enqueue_dma source(%arg4 : memref<1x1024xf32, #tpu.memory_space<hbm>>) target(%dma_start3A_115 : memref<1x1024xf32, #tpu.memory_space<vmem>>) target_semaphore(%run_scoped3A : memref<!tpu.dma_semaphore, #tpu.memory_space<semaphore_mem>>)
        %dma_wait3A_116 = arith.constant 0 : i32
        %dma_wait3A_117 = tpu.memref_slice %arg7[%sub3A_111, %dma_wait3A_116] : memref<32x1024xf32, #tpu.memory_space<vmem>> -> memref<1x1024xf32, #tpu.memory_space<vmem>>
        %dma_wait3A_118 = arith.constant 0 : i32
        %dma_wait3A_119 = tpu.memref_slice %arg7[%sub3A_111, %dma_wait3A_118] : memref<32x1024xf32, #tpu.memory_space<vmem>> -> memref<1x1024xf32, #tpu.memory_space<vmem>>
        tpu.wait_dma2 semaphore(%run_scoped3A : memref<!tpu.dma_semaphore, #tpu.memory_space<semaphore_mem>>) src(%arg4 : memref<1x1024xf32, #tpu.memory_space<hbm>>) dst(%dma_wait3A_119 : memref<1x1024xf32, #tpu.memory_space<vmem>>)
        tpu.yield
      }) : () -> ()
    } else {
    }
    %add3A_78 = arith.constant 64 : i32
    %add3A_79 = arith.addi %mul3A_2, %add3A_78 : i32
    %dma_start3A_80 = arith.constant 0 : i32
    %dma_start3A_81 = tpu.memref_slice %arg5[%add3A_79, %dma_start3A_80] : memref<4096x1024xf32, #tpu.memory_space<hbm>> -> memref<32x1024xf32, #tpu.memory_space<hbm>>
    %dma_start3A_82 = arith.constant 0 : i32
    %dma_start3A_83 = tpu.memref_slice %arg5[%add3A_79, %dma_start3A_82] : memref<4096x1024xf32, #tpu.memory_space<hbm>> -> memref<32x1024xf32, #tpu.memory_space<hbm>>
    tpu.enqueue_dma source(%arg7 : memref<32x1024xf32, #tpu.memory_space<vmem>>) target(%dma_start3A_83 : memref<32x1024xf32, #tpu.memory_space<hbm>>) target_semaphore(%arg11 : memref<!tpu.dma_semaphore, #tpu.memory_space<semaphore_mem>>)
    %dma_wait3A_84 = arith.constant 0 : i32
    %dma_wait3A_85 = tpu.memref_slice %arg2[%add3A_61, %dma_wait3A_84] : memref<4096x1024xf32, #tpu.memory_space<hbm>> -> memref<32x1024xf32, #tpu.memory_space<hbm>>
    %dma_wait3A_86 = arith.constant 0 : i32
    %dma_wait3A_87 = tpu.memref_slice %arg2[%add3A_61, %dma_wait3A_86] : memref<4096x1024xf32, #tpu.memory_space<hbm>> -> memref<32x1024xf32, #tpu.memory_space<hbm>>
    tpu.wait_dma2 semaphore(%arg10 : memref<!tpu.dma_semaphore, #tpu.memory_space<semaphore_mem>>) src(%dma_wait3A_87 : memref<32x1024xf32, #tpu.memory_space<hbm>>) dst(%arg8 : memref<32x1024xf32, #tpu.memory_space<vmem>>)
    %ge3A_88 = arith.constant 96 : i32
    %ge3A_89 = arith.cmpi sge, %sub3A, %ge3A_88 : i32
    %lt3A_90 = arith.constant 128 : i32
    %lt3A_91 = arith.cmpi slt, %sub3A, %lt3A_90 : i32
    %and3A_92 = arith.andi %ge3A_89, %lt3A_91 : i1
    %convert_element_type3A_93 = arith.extui %and3A_92 : i1 to i32
    %cond3A_94 = arith.constant 0 : i32
    %cond3A_95 = arith.cmpi ne, %convert_element_type3A_93, %cond3A_94 : i32
    scf.if %cond3A_95 {
      %sub3A_110 = arith.constant 96 : i32
      %sub3A_111 = arith.subi %sub3A, %sub3A_110 : i32
      "tpu.region"() ({
        %run_scoped3A = tpu.sem_alloc : memref<!tpu.dma_semaphore, #tpu.memory_space<semaphore_mem>>
        %dma_start3A_112 = arith.constant 0 : i32
        %dma_start3A_113 = tpu.memref_slice %arg8[%sub3A_111, %dma_start3A_112] : memref<32x1024xf32, #tpu.memory_space<vmem>> -> memref<1x1024xf32, #tpu.memory_space<vmem>>
        %dma_start3A_114 = arith.constant 0 : i32
        %dma_start3A_115 = tpu.memref_slice %arg8[%sub3A_111, %dma_start3A_114] : memref<32x1024xf32, #tpu.memory_space<vmem>> -> memref<1x1024xf32, #tpu.memory_space<vmem>>
        tpu.enqueue_dma source(%arg4 : memref<1x1024xf32, #tpu.memory_space<hbm>>) target(%dma_start3A_115 : memref<1x1024xf32, #tpu.memory_space<vmem>>) target_semaphore(%run_scoped3A : memref<!tpu.dma_semaphore, #tpu.memory_space<semaphore_mem>>)
        %dma_wait3A_116 = arith.constant 0 : i32
        %dma_wait3A_117 = tpu.memref_slice %arg8[%sub3A_111, %dma_wait3A_116] : memref<32x1024xf32, #tpu.memory_space<vmem>> -> memref<1x1024xf32, #tpu.memory_space<vmem>>
        %dma_wait3A_118 = arith.constant 0 : i32
        %dma_wait3A_119 = tpu.memref_slice %arg8[%sub3A_111, %dma_wait3A_118] : memref<32x1024xf32, #tpu.memory_space<vmem>> -> memref<1x1024xf32, #tpu.memory_space<vmem>>
        tpu.wait_dma2 semaphore(%run_scoped3A : memref<!tpu.dma_semaphore, #tpu.memory_space<semaphore_mem>>) src(%arg4 : memref<1x1024xf32, #tpu.memory_space<hbm>>) dst(%dma_wait3A_119 : memref<1x1024xf32, #tpu.memory_space<vmem>>)
        tpu.yield
      }) : () -> ()
    } else {
    }
    %add3A_96 = arith.constant 96 : i32
    %add3A_97 = arith.addi %mul3A_2, %add3A_96 : i32
    %dma_start3A_98 = arith.constant 0 : i32
    %dma_start3A_99 = tpu.memref_slice %arg5[%add3A_97, %dma_start3A_98] : memref<4096x1024xf32, #tpu.memory_space<hbm>> -> memref<32x1024xf32, #tpu.memory_space<hbm>>
    %dma_start3A_100 = arith.constant 0 : i32
    %dma_start3A_101 = tpu.memref_slice %arg5[%add3A_97, %dma_start3A_100] : memref<4096x1024xf32, #tpu.memory_space<hbm>> -> memref<32x1024xf32, #tpu.memory_space<hbm>>
    tpu.enqueue_dma source(%arg8 : memref<32x1024xf32, #tpu.memory_space<vmem>>) target(%dma_start3A_101 : memref<32x1024xf32, #tpu.memory_space<hbm>>) target_semaphore(%arg12 : memref<!tpu.dma_semaphore, #tpu.memory_space<semaphore_mem>>)
    %dma_wait3A_102 = arith.constant 0 : i32
    %dma_wait3A_103 = tpu.memref_slice %arg5[%add3A_79, %dma_wait3A_102] : memref<4096x1024xf32, #tpu.memory_space<hbm>> -> memref<32x1024xf32, #tpu.memory_space<hbm>>
    %dma_wait3A_104 = arith.constant 0 : i32
    %dma_wait3A_105 = tpu.memref_slice %arg5[%add3A_79, %dma_wait3A_104] : memref<4096x1024xf32, #tpu.memory_space<hbm>> -> memref<32x1024xf32, #tpu.memory_space<hbm>>
    tpu.wait_dma2 semaphore(%arg11 : memref<!tpu.dma_semaphore, #tpu.memory_space<semaphore_mem>>) src(%arg7 : memref<32x1024xf32, #tpu.memory_space<vmem>>) dst(%dma_wait3A_105 : memref<32x1024xf32, #tpu.memory_space<hbm>>)
    %dma_wait3A_106 = arith.constant 0 : i32
    %dma_wait3A_107 = tpu.memref_slice %arg5[%add3A_97, %dma_wait3A_106] : memref<4096x1024xf32, #tpu.memory_space<hbm>> -> memref<32x1024xf32, #tpu.memory_space<hbm>>
    %dma_wait3A_108 = arith.constant 0 : i32
    %dma_wait3A_109 = tpu.memref_slice %arg5[%add3A_97, %dma_wait3A_108] : memref<4096x1024xf32, #tpu.memory_space<hbm>> -> memref<32x1024xf32, #tpu.memory_space<hbm>>
    tpu.wait_dma2 semaphore(%arg12 : memref<!tpu.dma_semaphore, #tpu.memory_space<semaphore_mem>>) src(%arg8 : memref<32x1024xf32, #tpu.memory_space<vmem>>) dst(%dma_wait3A_109 : memref<32x1024xf32, #tpu.memory_space<hbm>>)
    return
  }
}

</mosaic_0001>

<sc_bundles>
// kernel: kernel.3.cloned.1.call-start
scs
__scs_entry_jumppad:
0x0: {  	(pc) =	sbr.rel $0x88, $3  }
0x1: {  	(tag) =	ssettag $0x0;
	lr =	simm.s32 $0x1  }
0x2: {  	[smem:$0x3F9E] =	sst lr;
	_ =	strace $0xD0000000  }
0x3: {  	_ = 	snop  }
0x4: {  	_ = 	snop  }
0x5: {  	_ = 	snop  }
0x6: {  	_ = 	snop  }
0x7: {  	_ = 	snop  }
__scs_overlays_trampoline_lowered:
0x8: {  	[smem:$0x3FAD] =	sst s0  }
0x9: {  	[smem:$0x3FAE] =	sst s1  }
0xa: {  	[smem:$0x3FAF] =	sst s2  }
0xb: {  	[smem:$0x3FB0] =	sst s3  }
0xc: {  	[smem:$0x3FB1] =	sst s4  }
0xd: {  	[smem:$0x3FB2] =	sst s5  }
0xe: {  	[smem:$0x3FB3] =	sst s6  }
0xf: {  	[smem:$0x3FB4] =	sst s7  }
0x10: {  	[smem:$0x3FB5] =	sst s8  }
0x11: {  	[smem:$0x3FB6] =	sst s9;
	s0 =	simm.s32 @!p0 $0x0  }
0x12: {  	s1 =	sld [smem:$0x3F9C];
	s0 =	simm.s32 @p0 $0x1  }
0x13: {  	[smem:$0x3FB7] =	sst s0;
	s0 =	simm.s32 @!p1 $0x0  }
0x14: {  	s2 =	sld [smem:$0x3F9B];
	s0 =	simm.s32 @p1 $0x1  }
0x15: {  	[smem:$0x3FB8] =	sst s0;
	s0 =	simm.s32 @!p2 $0x0  }
0x16: {  	s3 =	sld [smem:$0x3FDB];
	s0 =	simm.s32 @p2 $0x1  }
0x17: {  	s4 =	simm.s32 $0x1BF5;
	[smem:$0x3FBA] =	sst s0  }
0x18: {  	s0 =	sld [smem:$0x3F9D];
	_ =	swait.ge [sflag:s4], $0x0  }
0x19: {  	s7 =	sld [smem:$0x3F9E]  }
0x1a: {  	s8 =	sadd.s32 $0xFFFFE003, lr  }
0x1b: {  	s9 =	sadd.s32 $0xFFFFFEF7, lr;
	s5 =	simm.s32 $0xFFFFFFFF;
	p2 =	slt.u32 s8, $0xFFFFF086  }
0x1c: {  	p1 =	slt.u32 s9, $0xF7A;
	s5 =	simm.s32 @!p2 $0x0  }
0x1d: {  	s5 =	simm.s32 @p1 $0x1;
	p0 =	seq.s32 s7, s2  }
0x1e: {  	s7 =	smul.u32 @!p0 $0xF7A, s2;
	p2 =	seq.s32 @!p0 s5, $0x0  }
0x1f: {  	s9 =	smul.u32 $0xF7A, s1;
	s8 =	simm.s32 @!p0 $0x1BF5;
	p2 =	por !p2, p0  }
0x20: {  	[sflag:s8] =	ssyncset.s32 @!p0 $0xFFFFF086;
	s6 =	sadd.s32 @!p0 s3, s7;
	s7 =	simm.s32 @!p0 $0x108  }
0x21: {  	s3 =	sadd.s32 s3, s9;
	s6 =	sadd.s32 @!p0 $0x88, s6;
	s7 =	simm.s32 @p2 $0x1082  }
0x22: {  	[simem:s7], [sflag:s8] =	dma.local @!p0 [hbm:s6], $0xF7A  }
0x23: {  	s9 =	sor.u32 $0xD0000000, s2;
	s6 =	simm.s32 $0x108;
	_ =	swait.ge @!p0 [sflag:s8], $0x0  }
0x24: {  	s3 =	sadd.s32 $0x88, s3;
	s6 =	simm.s32 @!p1 $0x1082;
	[sflag:s4] =	ssyncset.s32 $0xFFFFF086  }
0x25: {  	[simem:s6], [sflag:s4] =	dma.local [hbm:s3], $0xF7A  }
0x26: {  	[smem:$0x3F9E] =	sst s1;
	(tag) =	ssettag s2;
	_ =	strace s9  }
0x27: {  	s1 =	sld [smem:$0x3FAE]  }
0x28: {  	s2 =	sld [smem:$0x3FAF]  }
0x29: {  	s4 =	sld [smem:$0x3FB1]  }
0x2a: {  	p0 =	seq.s32 s5, $0x0;
	s5 =	sld [smem:$0x3FB2]  }
0x2b: {  	s6 =	sld [smem:$0x3FB3]  }
0x2c: {  	s7 =	sld [smem:$0x3FB4]  }
0x2d: {  	s3 =	simm.s32 $0x108;
	s8 =	sld [smem:$0x3FB5]  }
0x2e: {  	s3 =	simm.s32 @!p0 $0x1082;
	s9 =	sld [smem:$0x3FB6]  }
0x2f: {  	lr =	sadd.s32 s0, s3;
	s0 =	sld [smem:$0x3FAD]  }
0x30: {  	s3 =	sld [smem:$0x3FB0]  }
0x31: {  	[smem:$0x3FB9] =	sst s10  }
0x32: {  	s10 =	sld [smem:$0x3FB7];
	_ =	sdelay $0x3  }
0x33: {  	p0 =	seq.s32 s10, $0x1;
	s10 =	sld [smem:$0x3FB9];
	_ =	sdelay $0x3  }
0x34: {  	[smem:$0x3FB9] =	sst s10  }
0x35: {  	s10 =	sld [smem:$0x3FB8];
	_ =	sdelay $0x3  }
0x36: {  	p1 =	seq.s32 s10, $0x1;
	s10 =	sld [smem:$0x3FB9];
	_ =	sdelay $0x3  }
0x37: {  	[smem:$0x3FB9] =	sst s10  }
0x38: {  	s10 =	sld [smem:$0x3FBA]  }
0x39: {  	_ = 	snop;
	(pc) =	sbr.ind lr, $3  }
0x3a: {  	_ = 	snop  }
0x3b: {  	_ = 	snop  }
0x3c: {  	p2 =	seq.s32 s10, $0x1;
	s10 =	sld [smem:$0x3FB9]  }
0x3d: {  	_ =	shalt  }
0x3e: {  	_ =	shalt  }
0x3f: {  	_ =	shalt  }
0x40: {  	_ =	shalt  }
0x41: {  	_ =	shalt  }
0x42: {  	_ =	shalt  }
0x43: {  	_ =	shalt  }
0x44: {  	_ =	shalt  }
0x45: {  	_ =	shalt  }
0x46: {  	_ =	shalt  }
0x47: {  	_ =	shalt  }
0x48: {  	_ =	shalt  }
0x49: {  	_ =	shalt  }
0x4a: {  	_ =	shalt  }
0x4b: {  	_ =	shalt  }
0x4c: {  	_ =	shalt  }
0x4d: {  	_ =	shalt  }
0x4e: {  	_ =	shalt  }
0x4f: {  	_ =	shalt  }
0x50: {  	_ =	shalt  }
0x51: {  	_ =	shalt  }
0x52: {  	_ =	shalt  }
0x53: {  	_ =	shalt  }
0x54: {  	_ =	shalt  }
0x55: {  	_ =	shalt  }
0x56: {  	_ =	shalt  }
0x57: {  	_ =	shalt  }
0x58: {  	_ =	shalt  }
0x59: {  	_ =	shalt  }
0x5a: {  	_ =	shalt  }
0x5b: {  	_ =	shalt  }
0x5c: {  	_ =	shalt  }
0x5d: {  	_ =	shalt  }
0x5e: {  	_ =	shalt  }
0x5f: {  	_ =	shalt  }
0x60: {  	_ =	shalt  }
0x61: {  	_ =	shalt  }
0x62: {  	_ =	shalt  }
0x63: {  	_ =	shalt  }
0x64: {  	_ =	shalt  }
0x65: {  	_ =	shalt  }
0x66: {  	_ =	shalt  }
0x67: {  	_ =	shalt  }
0x68: {  	_ =	shalt  }
0x69: {  	_ =	shalt  }
0x6a: {  	_ =	shalt  }
0x6b: {  	_ =	shalt  }
0x6c: {  	_ =	shalt  }
0x6d: {  	_ =	shalt  }
0x6e: {  	_ =	shalt  }
0x6f: {  	_ =	shalt  }
0x70: {  	_ =	shalt  }
0x71: {  	_ =	shalt  }
0x72: {  	_ =	shalt  }
0x73: {  	_ =	shalt  }
0x74: {  	_ =	shalt  }
0x75: {  	_ =	shalt  }
0x76: {  	_ =	shalt  }
0x77: {  	_ =	shalt  }
0x78: {  	_ =	shalt  }
0x79: {  	_ =	shalt  }
0x7a: {  	_ =	shalt  }
0x7b: {  	_ =	shalt  }
0x7c: {  	_ =	shalt  }
0x7d: {  	_ =	shalt  }
0x7e: {  	_ =	shalt  }
0x7f: {  	_ =	shalt  }
0x80: {  	_ =	shalt  }
0x81: {  	_ =	shalt  }
0x82: {  	_ =	shalt  }
0x83: {  	_ =	shalt  }
0x84: {  	_ =	shalt  }
0x85: {  	_ =	shalt  }
0x86: {  	_ =	shalt  }
0x87: {  	_ =	shalt  }
.Lfunc_end0:
.L_simem_size_0:
called_computation_lowered:
.L_overlay_start_0:
0x88: {  	s2 =	sld [smem:$0x3FD9]  }
0x89: {  	s3 =	sld [smem:$0x3FFE];
	_ =	sdelay $0x1  }
0x8a: {  	s1 =	srdreg.scid  }
0x8b: {  	s0 =	sand.u32 $0x1, s1  }
0x8c: {  	s17 =	sshll.u32 s0, $0xA;
	s2 =	sadd.s32 s3, s2  }
0x8d: {  	s2 =	sadd.s32 s2, s17  }
0x8e: {  	[smem:$0x3FC5] =	sst s2  }
0x8f: {  	_ = 	snop  }
0x90: {  	s2 =	sld [smem:$0x3FC9]  }
0x91: {  	s18 =	sld [smem:$0x3FC7]  }
0x92: {  	s4 =	sld [smem:$0x3FD0];
	(tm) =	ssettm $0x1  }
0x93: {  	s5 =	sld [smem:$0x3FFB];
	_ =	sdelay $0x3  }
0x94: {  	_ =	strace s5  }
0x95: {  	s5 =	sld [smem:$0x3FFC];
	_ =	sdelay $0x3  }
0x96: {  	_ =	strace s5  }
0x97: {  	s5 =	sld [smem:$0x3FFD];
	_ =	sdelay $0x3  }
0x98: {  	_ =	strace s5  }
0x99: {  	_ =	strace $0x8FFFFFFF  }
0x9a: {  	s19 =	sld [smem:$0x3FDB];
	_ =	sdelay $0x1  }
0x9b: {  	s6 =	simm.s32 $_scs_section_size  }
0x9c: {  	s7 =	simm.s32 $_size__tile_overlayer_lowered;
	s8 =	simm.s32 $_tile_overlayer_lowered  }
0x9d: {  	s22 =	simm.s32 $0x1BFF;
	s21 =	sshll.u32 s8, $0x1;
	s5 =	sadd.s32 s6, s19  }
0x9e: {  	s9 =	simm.s32 $0x0;
	s20 =	sshll.u32 s7, $0x1;
	s7 =	sadd.s32 s21, s5  }
0x9f: {  	[timem:s9], [sflag:s22] =	dma.local [hbm:s7], s20  }
0xa0: {  	_ =	swait.ge [sflag:s22], s20  }
0xa1: {  	s6 =	ssub.s32 $0x0, s20;
	[sflag:s22] =	ssyncset.done $0x0  }
0xa2: {  	[sflag:s22] =	ssyncadd.s32 s6;
	_ =	sdelay $0x1  }
0xa3: {  	s23 =	simm.s32 $0x1B8B  }
0xa4: {  	_ =	swait.ge [sflag:s23], $0x1  }
0xa5: {  	[sflag:s23] =	ssyncset.done $0x0  }
0xa6: {  	s25 =	simm.s32 $0x1B8E;
	s24 =	sld [smem:$0x3FFE];
	[sflag:s23] =	ssyncadd.s32 $0xFFFFFFFF  }
0xa7: {  	s26 =	simm.s32 $execute0_lowered;
	[smem:$0x3FD2] =	sst s25  }
0xa8: {  	s7 =	sshll.u32 s26, $0x1;
	_ =	strace $0x80000046;
	[dreg:$0x1] =	wrdreg $0xFFFFFFFF  }
0xa9: {  	s28 =	simm.s32 $_size_execute0_lowered;
	s5 =	sadd.s32 s5, s7;
	[dreg:$0x0] =	wrdreg $0x0  }
0xaa: {  	s7 =	sshll.u32 s28, $0x1;
	[dreg:$0x2] =	wrdreg s5  }
0xab: {  	[dreg:$0x3] =	wrdreg s7  }
0xac: {  	[dreg:$0x4] =	wrdreg $0xC0  }
0xad: {  	_ =	task [dreg:s9], $0x5FFFF  }
0xae: {  	[dreg:$0x1] =	wrdreg $0xFFFFFFFF  }
0xaf: {  	[dreg:$0x0] =	wrdreg $0x60  }
0xb0: {  	[dreg:$0x2] =	wrdreg s2  }
0xb1: {  	[dreg:$0x3] =	wrdreg s24  }
0xb2: {  	[dreg:$0x4] =	wrdreg s18  }
0xb3: {  	[dreg:$0x5] =	wrdreg s4  }
0xb4: {  	[dreg:$0x6] =	wrdreg $0x9  }
0xb5: {  	_ =	task.clear_ibuf [dreg:s9], $0x7FFFF;
	_ =	strace $0x90000046  }
0xb6: {  	s29 =	simm.s32 $0x9;
	_ =	strace $0x80000048  }
0xb7: {  	_ =	swait.ge [sflag:s29], $0x1  }
0xb8: {  	[sflag:s29] =	ssyncadd.s32 $0xFFFFFFFF  }
0xb9: {  	_ =	strace $0x90000048  }
0xba: {  	_ =	sfence  }
0xbb: {  	s30 =	sld [smem:$0x0];
	_ =	sdelay $0x2  }
0xbc: {  	s31 =	sshll.u32 s1, $0xD;
	s1 =	sshrl.u32 s1, $0x2  }
0xbd: {  	s3 =	sand.u32 $0x4000, s31;
	s1 =	sadd.s32 s1, s30  }
0xbe: {  	s0 =	sor.u32 s3, s0;
	s1 =	sshll.u32 s1, $0x11  }
0xbf: {  	s0 =	sor.u32 s1, s0  }
0xc0: {  	s0 =	sadd.s32 $0x8F2B, s0  }
0xc1: {  	[sflag:s0] =	ssyncadd.remote.s32 $0x1  }
0xc2: {  	_ =	sfence.sel $0xFFFF  }
0xc3: {  	[dreg:$0x0] =	wrdreg $0xFFFFFFFF;
	(pc) =	sbr.abs _section_cstart, $3  }
0xc4: {  	[dreg:$0x1] =	wrdreg $0xFFFFFFFF  }
0xc5: {  	_ =	task.clear_ibuf [dreg:s9], $0x2FFFF;
	_ =	strace $0x9FFFFFFF  }
0xc6: {  	(tm) =	ssettm $0x7FFFFFFF  }
0xc7: {  	_ =	shalt  }
tec
execute0_lowered:
.L_overlay_start_1:
0x0: {  	(tag) =	ssettag $0x1  }
0x1: {  	s4 =	rddreg [dreg:$0x0]  }
0x2: {  	s5 =	rddreg [dreg:$0x1]  }
0x3: {  	s30 =	rddreg [dreg:$0x2]  }
0x4: {  	s6 =	rddreg [dreg:$0x3];
	s2 =	srdreg.scid  }
0x5: {  	s15 =	rddreg [dreg:$0x4];
	s23 =	stileid.u32  }
0x6: {  	s26 =	simm.s32 $0x0;
	s1 =	simm.s32 $0x5;
	s16 =	simm.s32 $0x80  }
0x7: {  	s17 =	simm.s32 $0x8080;
	s14 =	simm.s32 $0x2;
	s18 =	simm.s32 $0x4  }
0x8: {  	p0 =	por $0x0, $0x0;
	s7 =	sand.u32 $0x1, s2;
	s8 =	sshll.u32 s23, $0x8  }
0x9: {  	[smem:$0x7FF] =	sst s26;
	s5 =	sadd.s32 $0x400, s5;
	s13 =	sadd.s32 $0x10, s30  }
0xa: {  	s3 =	sadd.s32 $0x20, s30;
	s11 =	sadd.s32 $0x30, s30;
	s9 =	sshll.u32 s7, $0x7  }
0xb: {  	_ =	strace $0x80000047;
	s28 =	ssub.s32 $0x2, s7;
	s12 =	sor.u32 s9, s8  }
0xc: {  	[dreg:$0x5] =	wrdreg s5;
	s7 =	sshrl.u32 s28, $0x1;
	s8 =	sshll.u32 s12, $0x7  }
0xd: {  	s9 =	sadd.s32 $0x50, s30;
	s5 =	ssub.s32 s28, s7;
	s19 =	sadd.s32 s4, s8  }
0xe: {  	s20 =	sor.u32 $0x1000, s8;
	s22 =	sadd.s32 s6, s8;
	s10 =	sor.u32 $0x2000, s8  }
0xf: {  	s8 =	sor.u32 $0x3000, s8;
	s5 =	smax.u32 s5, $0x1;
	[dreg:$0x6] =	wrdreg s19  }
0x10: {  	s21 =	sadd.s32 s4, s20;
	[dreg:$0x8] =	wrdreg s22;
	s19 =	sadd.s32 $0xFFFFFFFF, s5  }
0x11: {  	s24 =	sadd.s32 s4, s10;
	[dreg:$0x7] =	wrdreg s21;
	p1 =	sne.s32 s19, $0x0  }
.Ltmp0:
0x12: {  	s25 =	sadd.s32 s6, s20;
	[dreg:$0x9] =	wrdreg s24;
	(pc) =	sbr.rel @!p1 .LBB2_5-.Ltmp0, $4  }
0x13: {  	s7 =	sadd.s32 $0x70, s30;
	s4 =	sadd.s32 s4, s8;
	[dreg:$0xa] =	wrdreg s25  }
0x14: {  	s29 =	sadd.s32 s6, s10;
	s31 =	sadd.s32 s6, s8;
	[dreg:$0xb] =	wrdreg s4  }
0x15: {  	s10 =	sadd.s32 $0x40, s30;
	s8 =	simm.s32 $0x1;
	[dreg:$0xc] =	wrdreg s29  }
0x16: {  	s5 =	simm.s32 $0x3;
	[dreg:$0xd] =	wrdreg s31;
	s4 =	sadd.s32 $0x60, s30  }
0x17: {  	s20 =	rddreg [dreg:$0x5]  }
0x18: {  	[tilespmem:s26], [sflag:$0x5] =	stream.linear.gather [hbm4b:s20+s26], $0x80, $0x38;
	[tilespmem:$0x10080] =	vst v63  }
0x19: {  	_ =	swait.ge [sflag:s1], $0x80  }
0x1a: {  	[sflag:s1] =	ssyncset.done $0x0  }
0x1b: {  	[sflag:s1] =	ssyncadd.s32 $0xFFFFFF80  }
0x1c: {  	v0 =	vld [tilespmem:$0x0];
	_ =	sdelay $0x4  }
0x1d: {  	(v2sf) =	vpush v0, $0x0;
	_ =	sdelay $0x9  }
0x1e: {  	s0 =	rddreg [dreg:$0x6]  }
0x1f: {  	[tilespmem:s16], [sflag:$0x1] =	stream.linear.gather [hbm4b:s0+s26], $0x8000, $0x38;
	[tilespmem:$0x10080] =	vst v63  }
0x20: {  	s21 =	rddreg [dreg:$0x7]  }
0x21: {  	[tilespmem:s17], [sflag:$0x2] =	stream.linear.gather [hbm4b:s21+s26], $0x8000, $0x38;
	[tilespmem:$0x10080] =	vst v63  }
0x22: {  	_ =	swait.ge [sflag:s8], $0x8000  }
0x23: {  	s20 =	spop (v2sf)  }
0x24: {  	s21 =	ssub.s32 s20, s12  }
0x25: {  	p0 =	sgt.u32 s21, $0x1F  }
0x26: {  	s22 =	sshll.u32 @!p0 s21, $0xA;
	s23 =	sshll.u32 @!p0 s20, $0x7  }
0x27: {  	s22 =	sand.u32 @!p0 $0x6000, s22;
	s23 =	sand.u32 @!p0 $0x380, s23  }
0x28: {  	[sflag:s8] =	ssyncset.done $0x0;
	s22 =	sor.u32 @!p0 s23, s22  }
0x29: {  	[sflag:s8] =	ssyncadd.s32 $0xFFFF8000;
	s23 =	simm.s32 @!p0 $0x0;
	s24 =	sadd.s32 @!p0 $0x80, s22  }
0x2a: {  	[tilespmem:s24], [sflag:$0x5] =	stream.linear.gather @!p0 [hbm4b:s30+s23], $0x80, $0x38;
	[tilespmem:$0x10080] =	vst v63  }
0x2b: {  	s24 =	sadd.s32 @!p0 $0x480, s22  }
0x2c: {  	[tilespmem:s24], [sflag:$0x5] =	stream.linear.gather @!p0 [hbm4b:s13+s23], $0x80, $0x38;
	[tilespmem:$0x10080] =	vst v63  }
0x2d: {  	s24 =	sadd.s32 @!p0 $0x880, s22  }
0x2e: {  	[tilespmem:s24], [sflag:$0x5] =	stream.linear.gather @!p0 [hbm4b:s3+s23], $0x80, $0x38;
	[tilespmem:$0x10080] =	vst v63  }
0x2f: {  	s24 =	sadd.s32 @!p0 $0xC80, s22  }
0x30: {  	[tilespmem:s24], [sflag:$0x5] =	stream.linear.gather @!p0 [hbm4b:s11+s23], $0x80, $0x38;
	[tilespmem:$0x10080] =	vst v63  }
0x31: {  	s24 =	sadd.s32 @!p0 $0x1080, s22  }
0x32: {  	[tilespmem:s24], [sflag:$0x5] =	stream.linear.gather @!p0 [hbm4b:s10+s23], $0x80, $0x38;
	[tilespmem:$0x10080] =	vst v63  }
0x33: {  	s24 =	sadd.s32 @!p0 $0x1480, s22  }
0x34: {  	[tilespmem:s24], [sflag:$0x5] =	stream.linear.gather @!p0 [hbm4b:s9+s23], $0x80, $0x38;
	[tilespmem:$0x10080] =	vst v63  }
0x35: {  	s24 =	sadd.s32 @!p0 $0x1880, s22  }
0x36: {  	[tilespmem:s24], [sflag:$0x5] =	stream.linear.gather @!p0 [hbm4b:s4+s23], $0x80, $0x38;
	[tilespmem:$0x10080] =	vst v63  }
0x37: {  	s22 =	sadd.s32 @!p0 $0x1C80, s22;
	s24 =	simm.s32 @!p0 $0x5  }
0x38: {  	[tilespmem:s22], [sflag:$0x5] =	stream.linear.gather @!p0 [hbm4b:s7+s23], $0x80, $0x38;
	[tilespmem:$0x10080] =	vst v63  }
0x39: {  	_ =	swait.ge @!p0 [sflag:s24], $0x400  }
0x3a: {  	[sflag:s24] =	ssyncset.done @!p0 $0x0  }
0x3b: {  	s6 =	sand.u32 $0xFFFFFFE0, s21;
	s2 =	rddreg [dreg:$0x8];
	[sflag:s24] =	ssyncadd.s32 @!p0 $0xFFFFFC00  }
0x3c: {  	[hbm4b:s2+s26] =	stream.linear.scatter [tilespmem:s16], [sflag:$0x3], $0x8000, $0x38;
	[tilespmem:$0x10080] =	vst v63  }
0x3d: {  	p0 =	sne.s32 s6, $0x20;
	_ =	swait.ge [sflag:s5], $0x8000  }
0x3e: {  	s24 =	sshll.u32 @!p0 s20, $0x7;
	[sflag:s5] =	ssyncset.done $0x0  }
0x3f: {  	s25 =	sshll.u32 @!p0 s21, $0xA;
	s15 =	rddreg [dreg:$0x9];
	[sflag:s5] =	ssyncadd.s32 $0xFFFF8000  }
0x40: {  	[tilespmem:s16], [sflag:$0x1] =	stream.linear.gather [hbm4b:s15+s26], $0x8000, $0x38;
	[tilespmem:$0x10080] =	vst v63  }
0x41: {  	s23 =	sand.u32 @!p0 $0x380, s24;
	s24 =	sand.u32 @!p0 $0x6000, s25;
	_ =	swait.ge [sflag:s14], $0x8000  }
0x42: {  	s23 =	sor.u32 @!p0 s23, s24;
	[sflag:s14] =	ssyncset.done $0x0  }
0x43: {  	s25 =	simm.s32 @!p0 $0x0;
	s24 =	sadd.s32 @!p0 $0x8080, s23;
	[sflag:s14] =	ssyncadd.s32 $0xFFFF8000  }
0x44: {  	[tilespmem:s24], [sflag:$0x5] =	stream.linear.gather @!p0 [hbm4b:s30+s25], $0x80, $0x38;
	[tilespmem:$0x10080] =	vst v63  }
0x45: {  	s24 =	sadd.s32 @!p0 $0x8480, s23  }
0x46: {  	[tilespmem:s24], [sflag:$0x5] =	stream.linear.gather @!p0 [hbm4b:s13+s25], $0x80, $0x38;
	[tilespmem:$0x10080] =	vst v63  }
0x47: {  	s24 =	sadd.s32 @!p0 $0x8880, s23  }
0x48: {  	[tilespmem:s24], [sflag:$0x5] =	stream.linear.gather @!p0 [hbm4b:s3+s25], $0x80, $0x38;
	[tilespmem:$0x10080] =	vst v63  }
0x49: {  	s24 =	sadd.s32 @!p0 $0x8C80, s23  }
0x4a: {  	[tilespmem:s24], [sflag:$0x5] =	stream.linear.gather @!p0 [hbm4b:s11+s25], $0x80, $0x38;
	[tilespmem:$0x10080] =	vst v63  }
0x4b: {  	s24 =	sadd.s32 @!p0 $0x9080, s23  }
0x4c: {  	[tilespmem:s24], [sflag:$0x5] =	stream.linear.gather @!p0 [hbm4b:s10+s25], $0x80, $0x38;
	[tilespmem:$0x10080] =	vst v63  }
0x4d: {  	s24 =	sadd.s32 @!p0 $0x9480, s23  }
0x4e: {  	[tilespmem:s24], [sflag:$0x5] =	stream.linear.gather @!p0 [hbm4b:s9+s25], $0x80, $0x38;
	[tilespmem:$0x10080] =	vst v63  }
0x4f: {  	s24 =	sadd.s32 @!p0 $0x9880, s23  }
0x50: {  	[tilespmem:s24], [sflag:$0x5] =	stream.linear.gather @!p0 [hbm4b:s4+s25], $0x80, $0x38;
	[tilespmem:$0x10080] =	vst v63  }
0x51: {  	s23 =	sadd.s32 @!p0 $0x9C80, s23;
	s24 =	simm.s32 @!p0 $0x5  }
0x52: {  	[tilespmem:s23], [sflag:$0x5] =	stream.linear.gather @!p0 [hbm4b:s7+s25], $0x80, $0x38;
	[tilespmem:$0x10080] =	vst v63  }
0x53: {  	_ =	swait.ge @!p0 [sflag:s24], $0x400  }
0x54: {  	[sflag:s24] =	ssyncset.done @!p0 $0x0  }
0x55: {  	s28 =	rddreg [dreg:$0xa];
	[sflag:s24] =	ssyncadd.s32 @!p0 $0xFFFFFC00  }
0x56: {  	[hbm4b:s28+s26] =	stream.linear.scatter [tilespmem:s17], [sflag:$0x4], $0x8000, $0x38;
	[tilespmem:$0x10080] =	vst v63  }
0x57: {  	p0 =	sne.s32 s6, $0x40;
	_ =	swait.ge [sflag:s18], $0x8000  }
0x58: {  	s24 =	sshll.u32 @!p0 s21, $0xA;
	[sflag:s18] =	ssyncset.done $0x0  }
0x59: {  	s25 =	sshll.u32 @!p0 s20, $0x7;
	s29 =	rddreg [dreg:$0xb];
	[sflag:s18] =	ssyncadd.s32 $0xFFFF8000  }
0x5a: {  	[tilespmem:s17], [sflag:$0x2] =	stream.linear.gather [hbm4b:s29+s26], $0x8000, $0x38;
	[tilespmem:$0x10080] =	vst v63  }
0x5b: {  	s23 =	sand.u32 @!p0 $0x6000, s24;
	s24 =	sand.u32 @!p0 $0x380, s25;
	_ =	swait.ge [sflag:s8], $0x8000  }
0x5c: {  	s23 =	sor.u32 @!p0 s24, s23;
	[sflag:s8] =	ssyncset.done $0x0  }
0x5d: {  	s25 =	simm.s32 @!p0 $0x0;
	s24 =	sadd.s32 @!p0 $0x80, s23;
	[sflag:s8] =	ssyncadd.s32 $0xFFFF8000  }
0x5e: {  	[tilespmem:s24], [sflag:$0x5] =	stream.linear.gather @!p0 [hbm4b:s30+s25], $0x80, $0x38;
	[tilespmem:$0x10080] =	vst v63  }
0x5f: {  	s24 =	sadd.s32 @!p0 $0x480, s23  }
0x60: {  	[tilespmem:s24], [sflag:$0x5] =	stream.linear.gather @!p0 [hbm4b:s13+s25], $0x80, $0x38;
	[tilespmem:$0x10080] =	vst v63  }
0x61: {  	s24 =	sadd.s32 @!p0 $0x880, s23  }
0x62: {  	[tilespmem:s24], [sflag:$0x5] =	stream.linear.gather @!p0 [hbm4b:s3+s25], $0x80, $0x38;
	[tilespmem:$0x10080] =	vst v63  }
0x63: {  	s24 =	sadd.s32 @!p0 $0xC80, s23  }
0x64: {  	[tilespmem:s24], [sflag:$0x5] =	stream.linear.gather @!p0 [hbm4b:s11+s25], $0x80, $0x38;
	[tilespmem:$0x10080] =	vst v63  }
0x65: {  	s24 =	sadd.s32 @!p0 $0x1080, s23  }
0x66: {  	[tilespmem:s24], [sflag:$0x5] =	stream.linear.gather @!p0 [hbm4b:s10+s25], $0x80, $0x38;
	[tilespmem:$0x10080] =	vst v63  }
0x67: {  	s24 =	sadd.s32 @!p0 $0x1480, s23  }
0x68: {  	[tilespmem:s24], [sflag:$0x5] =	stream.linear.gather @!p0 [hbm4b:s9+s25], $0x80, $0x38;
	[tilespmem:$0x10080] =	vst v63  }
0x69: {  	s24 =	sadd.s32 @!p0 $0x1880, s23  }
0x6a: {  	[tilespmem:s24], [sflag:$0x5] =	stream.linear.gather @!p0 [hbm4b:s4+s25], $0x80, $0x38;
	[tilespmem:$0x10080] =	vst v63  }
0x6b: {  	s23 =	sadd.s32 @!p0 $0x1C80, s23  }
0x6c: {  	[tilespmem:s23], [sflag:$0x5] =	stream.linear.gather @!p0 [hbm4b:s7+s25], $0x80, $0x38;
	[tilespmem:$0x10080] =	vst v63  }
0x6d: {  	s23 =	simm.s32 @!p0 $0x5  }
0x6e: {  	p3 =	sne.s32 s6, $0x60;
	_ =	swait.ge @!p0 [sflag:s23], $0x400  }
0x6f: {  	s21 =	sshll.u32 @!p3 s21, $0xA;
	[sflag:s23] =	ssyncset.done @!p0 $0x0  }
0x70: {  	s20 =	sshll.u32 @!p3 s20, $0x7;
	s31 =	rddreg [dreg:$0xc];
	[sflag:s23] =	ssyncadd.s32 @!p0 $0xFFFFFC00  }
0x71: {  	[hbm4b:s31+s26] =	stream.linear.scatter [tilespmem:s16], [sflag:$0x3], $0x8000, $0x38;
	[tilespmem:$0x10080] =	vst v63  }
0x72: {  	s21 =	sand.u32 @!p3 $0x6000, s21;
	s20 =	sand.u32 @!p3 $0x380, s20;
	_ =	swait.ge [sflag:s14], $0x8000  }
0x73: {  	s21 =	sor.u32 @!p3 s20, s21;
	[sflag:s14] =	ssyncset.done $0x0  }
0x74: {  	s20 =	simm.s32 @!p3 $0x0;
	s22 =	sadd.s32 @!p3 $0x8080, s21;
	[sflag:s14] =	ssyncadd.s32 $0xFFFF8000  }
0x75: {  	[tilespmem:s22], [sflag:$0x5] =	stream.linear.gather @!p3 [hbm4b:s30+s20], $0x80, $0x38;
	[tilespmem:$0x10080] =	vst v63  }
0x76: {  	s22 =	sadd.s32 @!p3 $0x8480, s21  }
0x77: {  	[tilespmem:s22], [sflag:$0x5] =	stream.linear.gather @!p3 [hbm4b:s13+s20], $0x80, $0x38;
	[tilespmem:$0x10080] =	vst v63  }
0x78: {  	s22 =	sadd.s32 @!p3 $0x8880, s21  }
0x79: {  	[tilespmem:s22], [sflag:$0x5] =	stream.linear.gather @!p3 [hbm4b:s3+s20], $0x80, $0x38;
	[tilespmem:$0x10080] =	vst v63  }
0x7a: {  	s19 =	sadd.s32 $0xFFFFFFFF, s19;
	s22 =	sadd.s32 @!p3 $0x8C80, s21  }
0x7b: {  	[tilespmem:s22], [sflag:$0x5] =	stream.linear.gather @!p3 [hbm4b:s11+s20], $0x80, $0x38;
	[tilespmem:$0x10080] =	vst v63  }
0x7c: {  	p1 =	sne.s32 s19, $0x0;
	s22 =	sadd.s32 @!p3 $0x9080, s21  }
0x7d: {  	[tilespmem:s22], [sflag:$0x5] =	stream.linear.gather @!p3 [hbm4b:s10+s20], $0x80, $0x38;
	[tilespmem:$0x10080] =	vst v63  }
.Ltmp1:
0x7e: {  	s22 =	sadd.s32 @!p3 $0x9480, s21;
	(pc) =	sbr.rel @!p1 .LBB2_2-.Ltmp1, $4  }
0x7f: {  	[tilespmem:s22], [sflag:$0x5] =	stream.linear.gather @!p3 [hbm4b:s9+s20], $0x80, $0x38;
	[tilespmem:$0x10080] =	vst v63  }
0x80: {  	p0 =	por $0x1, $0x1;
	s22 =	sadd.s32 @!p3 $0x9880, s21  }
0x81: {  	[tilespmem:s22], [sflag:$0x5] =	stream.linear.gather @!p3 [hbm4b:s4+s20], $0x80, $0x38;
	[tilespmem:$0x10080] =	vst v63  }
0x82: {  	[dreg:$0xe] =	wrdreg s12;
	s21 =	sadd.s32 @!p3 $0x9C80, s21;
	s22 =	simm.s32 @!p3 $0x5  }
.LBB2_3:
0x83: {  	[tilespmem:s21], [sflag:$0x5] =	stream.linear.gather @!p3 [hbm4b:s7+s20], $0x80, $0x38;
	[tilespmem:$0x10080] =	vst v63  }
0x84: {  	_ =	swait.ge @!p3 [sflag:s22], $0x400  }
0x85: {  	[sflag:s22] =	ssyncset.done @!p3 $0x0  }
0x86: {  	s31 =	rddreg [dreg:$0xd];
	[sflag:s22] =	ssyncadd.s32 @!p3 $0xFFFFFC00  }
0x87: {  	[hbm4b:s31+s26] =	stream.linear.scatter [tilespmem:s17], [sflag:$0x4], $0x8000, $0x38;
	[tilespmem:$0x10080] =	vst v63  }
0x88: {  	_ =	swait.ge [sflag:s5], $0x8000  }
0x89: {  	[sflag:s5] =	ssyncset.done $0x0  }
0x8a: {  	[sflag:s5] =	ssyncadd.s32 $0xFFFF8000  }
0x8b: {  	_ =	swait.ge [sflag:s18], $0x8000  }
0x8c: {  	[sflag:s18] =	ssyncset.done $0x0  }
0x8d: {  	s0 =	rddreg [dreg:$0x5];
	[sflag:s18] =	ssyncadd.s32 $0xFFFF8000  }
0x8e: {  	[tilespmem:s26], [sflag:$0x5] =	stream.linear.gather [hbm4b:s0+s26], $0x80, $0x38;
	[tilespmem:$0x10080] =	vst v63  }
0x8f: {  	_ =	swait.ge [sflag:s1], $0x80  }
0x90: {  	[sflag:s1] =	ssyncset.done $0x0  }
0x91: {  	[sflag:s1] =	ssyncadd.s32 $0xFFFFFF80  }
0x92: {  	v0 =	vld [tilespmem:$0x0];
	_ =	sdelay $0x4  }
0x93: {  	(v2sf) =	vpush v0, $0x0;
	_ =	sdelay $0x9  }
0x94: {  	s1 =	rddreg [dreg:$0x6]  }
0x95: {  	[tilespmem:s16], [sflag:$0x1] =	stream.linear.gather [hbm4b:s1+s26], $0x8000, $0x38;
	[tilespmem:$0x10080] =	vst v63  }
0x96: {  	s2 =	rddreg [dreg:$0x7]  }
0x97: {  	[tilespmem:s17], [sflag:$0x2] =	stream.linear.gather [hbm4b:s2+s26], $0x8000, $0x38;
	[tilespmem:$0x10080] =	vst v63  }
0x98: {  	_ =	swait.ge [sflag:s8], $0x8000  }
0x99: {  	s20 =	spop (v2sf)  }
0x9a: {  	s21 =	ssub.s32 s20, s12  }
0x9b: {  	p4 =	sgt.u32 s21, $0x1F  }
0x9c: {  	s14 =	smov.u32 s30;
	s23 =	sshll.u32 @!p4 s21, $0xA;
	s24 =	sshll.u32 @!p4 s20, $0x7  }
0x9d: {  	[sflag:s8] =	ssyncset.done $0x0;
	s23 =	sand.u32 @!p4 $0x6000, s23;
	s24 =	sand.u32 @!p4 $0x380, s24  }
0x9e: {  	s16 =	simm.s32 $0x2;
	[sflag:s8] =	ssyncadd.s32 $0xFFFF8000;
	s23 =	sor.u32 @!p4 s24, s23  }
0x9f: {  	s22 =	sand.u32 $0xFFFFFFE0, s21;
	s26 =	simm.s32 @!p4 $0x0;
	s25 =	sadd.s32 @!p4 $0x80, s23  }
0xa0: {  	[tilespmem:s25], [sflag:$0x5] =	stream.linear.gather @!p4 [hbm4b:s30+s26], $0x80, $0x38;
	[tilespmem:$0x10080] =	vst v63  }
0xa1: {  	s2 =	smov.u32 s3;
	p3 =	sne.s32 s22, $0x20;
	s28 =	sadd.s32 @!p4 $0x480, s23  }
0xa2: {  	[tilespmem:s28], [sflag:$0x5] =	stream.linear.gather @!p4 [hbm4b:s13+s26], $0x80, $0x38;
	[tilespmem:$0x10080] =	vst v63  }
0xa3: {  	s8 =	simm.s32 $0x0;
	s24 =	sshll.u32 @!p3 s20, $0x7;
	s29 =	sadd.s32 @!p4 $0x880, s23  }
0xa4: {  	[tilespmem:s29], [sflag:$0x5] =	stream.linear.gather @!p4 [hbm4b:s3+s26], $0x80, $0x38;
	[tilespmem:$0x10080] =	vst v63  }
0xa5: {  	p2 =	sne.s32 s22, $0x40;
	s1 =	sand.u32 @!p3 $0x380, s24;
	s25 =	sadd.s32 @!p4 $0xC80, s23  }
0xa6: {  	[tilespmem:s25], [sflag:$0x5] =	stream.linear.gather @!p4 [hbm4b:s11+s26], $0x80, $0x38;
	[tilespmem:$0x10080] =	vst v63  }
0xa7: {  	s24 =	sshll.u32 @!p2 s21, $0xA;
	s30 =	sadd.s32 @!p4 $0x1080, s23;
	s28 =	sshll.u32 @!p2 s20, $0x7  }
0xa8: {  	[tilespmem:s30], [sflag:$0x5] =	stream.linear.gather @!p4 [hbm4b:s10+s26], $0x80, $0x38;
	[tilespmem:$0x10080] =	vst v63  }
0xa9: {  	s31 =	sadd.s32 @!p4 $0x1480, s23;
	s24 =	sand.u32 @!p2 $0x6000, s24;
	s25 =	sand.u32 @!p2 $0x380, s28  }
0xaa: {  	[tilespmem:s31], [sflag:$0x5] =	stream.linear.gather @!p4 [hbm4b:s9+s26], $0x80, $0x38;
	[tilespmem:$0x10080] =	vst v63  }
0xab: {  	s12 =	simm.s32 $0x80;
	s0 =	sadd.s32 @!p4 $0x1880, s23;
	s3 =	sor.u32 @!p2 s25, s24  }
0xac: {  	[tilespmem:s0], [sflag:$0x5] =	stream.linear.gather @!p4 [hbm4b:s4+s26], $0x80, $0x38;
	[tilespmem:$0x10080] =	vst v63  }
0xad: {  	s17 =	simm.s32 @!p4 $0x5;
	s23 =	sadd.s32 @!p4 $0x1C80, s23;
	s30 =	sadd.s32 @!p2 $0x480, s3  }
0xae: {  	[tilespmem:s23], [sflag:$0x5] =	stream.linear.gather @!p4 [hbm4b:s7+s26], $0x80, $0x38;
	[tilespmem:$0x10080] =	vst v63  }
0xaf: {  	s28 =	sadd.s32 @!p2 $0x880, s3;
	s0 =	sadd.s32 @!p2 $0x1C80, s3;
	_ =	swait.ge @!p4 [sflag:s17], $0x400  }
0xb0: {  	s29 =	sadd.s32 @!p2 $0xC80, s3;
	[dreg:$0xf] =	wrdreg s0;
	[sflag:s17] =	ssyncset.done @!p4 $0x0  }
0xb1: {  	s25 =	sadd.s32 @!p2 $0x1080, s3;
	s6 =	rddreg [dreg:$0x8];
	[sflag:s17] =	ssyncadd.s32 @!p4 $0xFFFFFC00  }
0xb2: {  	[hbm4b:s6+s8] =	stream.linear.scatter [tilespmem:s12], [sflag:$0x3], $0x8000, $0x38;
	[tilespmem:$0x10080] =	vst v63  }
0xb3: {  	s24 =	sadd.s32 @!p2 $0x1480, s3;
	s31 =	sadd.s32 @!p2 $0x80, s3;
	_ =	swait.ge [sflag:s5], $0x8000  }
0xb4: {  	s26 =	sadd.s32 @!p2 $0x1880, s3;
	s3 =	sshll.u32 @!p3 s21, $0xA;
	[sflag:s5] =	ssyncset.done $0x0  }
0xb5: {  	s23 =	simm.s32 $0x80;
	s17 =	rddreg [dreg:$0x9];
	[sflag:s5] =	ssyncadd.s32 $0xFFFF8000  }
0xb6: {  	[tilespmem:s23], [sflag:$0x1] =	stream.linear.gather [hbm4b:s17+s8], $0x8000, $0x38;
	[tilespmem:$0x10080] =	vst v63  }
0xb7: {  	s3 =	sand.u32 @!p3 $0x6000, s3;
	_ =	swait.ge [sflag:s16], $0x8000  }
0xb8: {  	s1 =	sor.u32 @!p3 s1, s3;
	[sflag:s16] =	ssyncset.done $0x0  }
0xb9: {  	s0 =	sadd.s32 @!p3 $0x8080, s1;
	s17 =	simm.s32 @!p3 $0x0;
	[sflag:s16] =	ssyncadd.s32 $0xFFFF8000  }
0xba: {  	[tilespmem:s0], [sflag:$0x5] =	stream.linear.gather @!p3 [hbm4b:s14+s17], $0x80, $0x38;
	[tilespmem:$0x10080] =	vst v63  }
0xbb: {  	s3 =	sadd.s32 @!p3 $0x8480, s1  }
0xbc: {  	[tilespmem:s3], [sflag:$0x5] =	stream.linear.gather @!p3 [hbm4b:s13+s17], $0x80, $0x38;
	[tilespmem:$0x10080] =	vst v63  }
0xbd: {  	s18 =	sadd.s32 @!p3 $0x8880, s1;
	s12 =	smov.u32 s11;
	s11 =	smov.u32 s10  }
0xbe: {  	[tilespmem:s18], [sflag:$0x5] =	stream.linear.gather @!p3 [hbm4b:s2+s17], $0x80, $0x38;
	[tilespmem:$0x10080] =	vst v63  }
0xbf: {  	s10 =	smov.u32 s9;
	s9 =	smov.u32 s4;
	s4 =	sadd.s32 @!p3 $0x8C80, s1  }
0xc0: {  	[tilespmem:s4], [sflag:$0x5] =	stream.linear.gather @!p3 [hbm4b:s12+s17], $0x80, $0x38;
	[tilespmem:$0x10080] =	vst v63  }
0xc1: {  	s15 =	sadd.s32 @!p3 $0x9080, s1  }
0xc2: {  	[tilespmem:s15], [sflag:$0x5] =	stream.linear.gather @!p3 [hbm4b:s11+s17], $0x80, $0x38;
	[tilespmem:$0x10080] =	vst v63  }
0xc3: {  	s5 =	sadd.s32 @!p3 $0x9480, s1  }
0xc4: {  	[tilespmem:s5], [sflag:$0x5] =	stream.linear.gather @!p3 [hbm4b:s10+s17], $0x80, $0x38;
	[tilespmem:$0x10080] =	vst v63  }
0xc5: {  	s6 =	sadd.s32 @!p3 $0x9880, s1  }
0xc6: {  	[tilespmem:s6], [sflag:$0x5] =	stream.linear.gather @!p3 [hbm4b:s9+s17], $0x80, $0x38;
	[tilespmem:$0x10080] =	vst v63  }
0xc7: {  	s1 =	sadd.s32 @!p3 $0x9C80, s1;
	s0 =	simm.s32 @!p3 $0x5  }
0xc8: {  	[tilespmem:s1], [sflag:$0x5] =	stream.linear.gather @!p3 [hbm4b:s7+s17], $0x80, $0x38;
	[tilespmem:$0x10080] =	vst v63  }
0xc9: {  	_ =	swait.ge @!p3 [sflag:s0], $0x400  }
0xca: {  	s18 =	simm.s32 $0x4;
	[sflag:s0] =	ssyncset.done @!p3 $0x0  }
0xcb: {  	s17 =	simm.s32 $0x8080;
	s15 =	rddreg [dreg:$0xa];
	[sflag:s0] =	ssyncadd.s32 @!p3 $0xFFFFFC00  }
0xcc: {  	[hbm4b:s15+s8] =	stream.linear.scatter [tilespmem:s17], [sflag:$0x4], $0x8000, $0x38;
	[tilespmem:$0x10080] =	vst v63  }
0xcd: {  	_ =	swait.ge [sflag:s18], $0x8000  }
0xce: {  	[sflag:s18] =	ssyncset.done $0x0  }
0xcf: {  	s23 =	rddreg [dreg:$0xb];
	[sflag:s18] =	ssyncadd.s32 $0xFFFF8000  }
0xd0: {  	[tilespmem:s17], [sflag:$0x2] =	stream.linear.gather [hbm4b:s23+s8], $0x8000, $0x38;
	[tilespmem:$0x10080] =	vst v63  }
0xd1: {  	s8 =	simm.s32 $0x1  }
0xd2: {  	_ =	swait.ge [sflag:s8], $0x8000  }
0xd3: {  	[sflag:s8] =	ssyncset.done $0x0  }
0xd4: {  	s0 =	simm.s32 @!p2 $0x0;
	[sflag:s8] =	ssyncadd.s32 $0xFFFF8000  }
0xd5: {  	[tilespmem:s31], [sflag:$0x5] =	stream.linear.gather @!p2 [hbm4b:s14+s0], $0x80, $0x38;
	[tilespmem:$0x10080] =	vst v63  }
0xd6: {  	_ = 	snop  }
0xd7: {  	[tilespmem:s30], [sflag:$0x5] =	stream.linear.gather @!p2 [hbm4b:s13+s0], $0x80, $0x38;
	[tilespmem:$0x10080] =	vst v63  }
0xd8: {  	_ = 	snop  }
0xd9: {  	[tilespmem:s28], [sflag:$0x5] =	stream.linear.gather @!p2 [hbm4b:s2+s0], $0x80, $0x38;
	[tilespmem:$0x10080] =	vst v63  }
0xda: {  	_ = 	snop  }
0xdb: {  	[tilespmem:s29], [sflag:$0x5] =	stream.linear.gather @!p2 [hbm4b:s12+s0], $0x80, $0x38;
	[tilespmem:$0x10080] =	vst v63  }
0xdc: {  	_ = 	snop  }
0xdd: {  	[tilespmem:s25], [sflag:$0x5] =	stream.linear.gather @!p2 [hbm4b:s11+s0], $0x80, $0x38;
	[tilespmem:$0x10080] =	vst v63  }
0xde: {  	_ = 	snop  }
0xdf: {  	[tilespmem:s24], [sflag:$0x5] =	stream.linear.gather @!p2 [hbm4b:s10+s0], $0x80, $0x38;
	[tilespmem:$0x10080] =	vst v63  }
0xe0: {  	s16 =	simm.s32 $0x80  }
0xe1: {  	[tilespmem:s26], [sflag:$0x5] =	stream.linear.gather @!p2 [hbm4b:s9+s0], $0x80, $0x38;
	[tilespmem:$0x10080] =	vst v63  }
0xe2: {  	s1 =	simm.s32 @!p2 $0x5;
	p3 =	sne.s32 s22, $0x60;
	s3 =	rddreg [dreg:$0xf]  }
0xe3: {  	[tilespmem:s3], [sflag:$0x5] =	stream.linear.gather @!p2 [hbm4b:s7+s0], $0x80, $0x38;
	[tilespmem:$0x10080] =	vst v63  }
0xe4: {  	s30 =	smov.u32 s14;
	s14 =	simm.s32 $0x2;
	_ =	swait.ge @!p2 [sflag:s1], $0x400  }
0xe5: {  	s26 =	simm.s32 $0x0;
	s3 =	sshll.u32 @!p3 s20, $0x7;
	[sflag:s1] =	ssyncset.done @!p2 $0x0  }
0xe6: {  	s31 =	rddreg [dreg:$0xc];
	[sflag:s1] =	ssyncadd.s32 @!p2 $0xFFFFFC00;
	s1 =	sshll.u32 @!p3 s21, $0xA  }
0xe7: {  	[hbm4b:s31+s26] =	stream.linear.scatter [tilespmem:s16], [sflag:$0x3], $0x8000, $0x38;
	[tilespmem:$0x10080] =	vst v63  }
0xe8: {  	s3 =	sand.u32 @!p3 $0x380, s3;
	s1 =	sand.u32 @!p3 $0x6000, s1;
	_ =	swait.ge [sflag:s14], $0x8000  }
0xe9: {  	s0 =	sor.u32 @!p3 s3, s1;
	[sflag:s14] =	ssyncset.done $0x0  }
0xea: {  	s20 =	simm.s32 @!p3 $0x0;
	s1 =	sadd.s32 @!p3 $0x8080, s0;
	[sflag:s14] =	ssyncadd.s32 $0xFFFF8000  }
0xeb: {  	[tilespmem:s1], [sflag:$0x5] =	stream.linear.gather @!p3 [hbm4b:s30+s20], $0x80, $0x38;
	[tilespmem:$0x10080] =	vst v63  }
0xec: {  	s3 =	sadd.s32 @!p3 $0x8480, s0  }
0xed: {  	[tilespmem:s3], [sflag:$0x5] =	stream.linear.gather @!p3 [hbm4b:s13+s20], $0x80, $0x38;
	[tilespmem:$0x10080] =	vst v63  }
0xee: {  	s4 =	sadd.s32 @!p3 $0x8880, s0  }
0xef: {  	[tilespmem:s4], [sflag:$0x5] =	stream.linear.gather @!p3 [hbm4b:s2+s20], $0x80, $0x38;
	[tilespmem:$0x10080] =	vst v63  }
0xf0: {  	s19 =	sadd.s32 $0xFFFFFFFF, s19;
	s5 =	sadd.s32 @!p3 $0x8C80, s0;
	s4 =	smov.u32 s9  }
0xf1: {  	s9 =	smov.u32 s10;
	s10 =	smov.u32 s11;
	s11 =	smov.u32 s12  }
0xf2: {  	[tilespmem:s5], [sflag:$0x5] =	stream.linear.gather @!p3 [hbm4b:s11+s20], $0x80, $0x38;
	[tilespmem:$0x10080] =	vst v63  }
0xf3: {  	p1 =	sne.s32 s19, $0x0;
	s1 =	sadd.s32 @!p3 $0x9080, s0  }
0xf4: {  	[tilespmem:s1], [sflag:$0x5] =	stream.linear.gather @!p3 [hbm4b:s10+s20], $0x80, $0x38;
	[tilespmem:$0x10080] =	vst v63  }
.Ltmp2:
0xf5: {  	s22 =	simm.s32 @!p3 $0x5;
	s6 =	sadd.s32 @!p3 $0x9480, s0;
	(pc) =	sbr.rel @p1 .LBB2_3-.Ltmp2, $4  }
0xf6: {  	s15 =	sadd.s32 @!p3 $0x9880, s0;
	s21 =	sadd.s32 @!p3 $0x9C80, s0;
	s3 =	smov.u32 s2  }
0xf7: {  	[tilespmem:s6], [sflag:$0x5] =	stream.linear.gather @!p3 [hbm4b:s9+s20], $0x80, $0x38;
	[tilespmem:$0x10080] =	vst v63  }
0xf8: {  	s12 =	rddreg [dreg:$0xe];
	s5 =	simm.s32 $0x3;
	s1 =	simm.s32 $0x5  }
0xf9: {  	[tilespmem:s15], [sflag:$0x5] =	stream.linear.gather @!p3 [hbm4b:s4+s20], $0x80, $0x38;
	[tilespmem:$0x10080] =	vst v63  }
0xfa: {  	s15 =	rddreg [dreg:$0x4];
	s23 =	stileid.u32  }
.LBB2_5:
0xfb: {  	p1 =	por p3, !p0  }
0xfc: {  	[tilespmem:s21], [sflag:$0x5] =	stream.linear.gather @!p1 [hbm4b:s7+s20], $0x80, $0x38;
	[tilespmem:$0x10080] =	vst v63  }
0xfd: {  	_ =	swait.ge @!p1 [sflag:s22], $0x400  }
0xfe: {  	[sflag:s22] =	ssyncset.done @!p1 $0x0  }
0xff: {  	s0 =	rddreg [dreg:$0xd];
	[sflag:s22] =	ssyncadd.s32 @!p1 $0xFFFFFC00  }
0x100: {  	[hbm4b:s0+s26] =	stream.linear.scatter @p0 [tilespmem:s17], [sflag:$0x4], $0x8000, $0x38;
	[tilespmem:$0x10080] =	vst v63  }
0x101: {  	_ =	swait.ge @p0 [sflag:s5], $0x8000  }
0x102: {  	[sflag:s5] =	ssyncset.done @p0 $0x0  }
0x103: {  	[sflag:s5] =	ssyncadd.s32 @p0 $0xFFFF8000  }
0x104: {  	_ =	swait.ge @p0 [sflag:s18], $0x8000  }
0x105: {  	[sflag:s18] =	ssyncset.done @p0 $0x0  }
0x106: {  	s6 =	rddreg [dreg:$0x5];
	[sflag:s18] =	ssyncadd.s32 @p0 $0xFFFF8000  }
0x107: {  	[tilespmem:s26], [sflag:$0x5] =	stream.linear.gather [hbm4b:s6+s26], $0x80, $0x38;
	[tilespmem:$0x10080] =	vst v63  }
0x108: {  	_ =	swait.ge [sflag:s1], $0x80  }
0x109: {  	[sflag:s1] =	ssyncset.done $0x0  }
0x10a: {  	[sflag:s1] =	ssyncadd.s32 $0xFFFFFF80  }
0x10b: {  	v0 =	vld [tilespmem:$0x0];
	_ =	sdelay $0x4  }
0x10c: {  	(v2sf) =	vpush v0, $0x0;
	_ =	sdelay $0x9  }
0x10d: {  	s19 =	rddreg [dreg:$0x6]  }
0x10e: {  	[tilespmem:s16], [sflag:$0x1] =	stream.linear.gather [hbm4b:s19+s26], $0x8000, $0x38;
	[tilespmem:$0x10080] =	vst v63  }
0x10f: {  	s20 =	rddreg [dreg:$0x7]  }
0x110: {  	[tilespmem:s17], [sflag:$0x2] =	stream.linear.gather [hbm4b:s20+s26], $0x8000, $0x38;
	[tilespmem:$0x10080] =	vst v63  }
0x111: {  	_ =	swait.ge [sflag:s8], $0x8000  }
0x112: {  	s18 =	spop (v2sf)  }
0x113: {  	s17 =	ssub.s32 s18, s12  }
0x114: {  	p0 =	sgt.u32 s17, $0x1F  }
0x115: {  	s2 =	simm.s32 $0x1;
	s0 =	sshll.u32 @!p0 s17, $0xA;
	s1 =	sshll.u32 @!p0 s18, $0x7  }
0x116: {  	[sflag:s2] =	ssyncset.done $0x0;
	s0 =	sand.u32 @!p0 $0x6000, s0;
	s1 =	sand.u32 @!p0 $0x380, s1  }
0x117: {  	[sflag:s2] =	ssyncadd.s32 $0xFFFF8000;
	s0 =	sor.u32 @!p0 s1, s0  }
0x118: {  	s12 =	smov.u32 s3;
	s1 =	simm.s32 @!p0 $0x0;
	s3 =	sadd.s32 @!p0 $0x80, s0  }
0x119: {  	[tilespmem:s3], [sflag:$0x5] =	stream.linear.gather @!p0 [hbm4b:s30+s1], $0x80, $0x38;
	[tilespmem:$0x10080] =	vst v63  }
0x11a: {  	s3 =	sadd.s32 @!p0 $0x480, s0  }
0x11b: {  	[tilespmem:s3], [sflag:$0x5] =	stream.linear.gather @!p0 [hbm4b:s13+s1], $0x80, $0x38;
	[tilespmem:$0x10080] =	vst v63  }
0x11c: {  	s3 =	sadd.s32 @!p0 $0x880, s0  }
0x11d: {  	[tilespmem:s3], [sflag:$0x5] =	stream.linear.gather @!p0 [hbm4b:s12+s1], $0x80, $0x38;
	[tilespmem:$0x10080] =	vst v63  }
0x11e: {  	s3 =	sadd.s32 @!p0 $0xC80, s0  }
0x11f: {  	[tilespmem:s3], [sflag:$0x5] =	stream.linear.gather @!p0 [hbm4b:s11+s1], $0x80, $0x38;
	[tilespmem:$0x10080] =	vst v63  }
0x120: {  	s3 =	sadd.s32 @!p0 $0x1080, s0  }
0x121: {  	[tilespmem:s3], [sflag:$0x5] =	stream.linear.gather @!p0 [hbm4b:s10+s1], $0x80, $0x38;
	[tilespmem:$0x10080] =	vst v63  }
0x122: {  	s3 =	sadd.s32 @!p0 $0x1480, s0  }
0x123: {  	[tilespmem:s3], [sflag:$0x5] =	stream.linear.gather @!p0 [hbm4b:s9+s1], $0x80, $0x38;
	[tilespmem:$0x10080] =	vst v63  }
0x124: {  	s8 =	smov.u32 s4;
	s3 =	sadd.s32 @!p0 $0x1880, s0  }
0x125: {  	[tilespmem:s3], [sflag:$0x5] =	stream.linear.gather @!p0 [hbm4b:s8+s1], $0x80, $0x38;
	[tilespmem:$0x10080] =	vst v63  }
0x126: {  	s0 =	sadd.s32 @!p0 $0x1C80, s0;
	s3 =	simm.s32 @!p0 $0x5  }
0x127: {  	[tilespmem:s0], [sflag:$0x5] =	stream.linear.gather @!p0 [hbm4b:s7+s1], $0x80, $0x38;
	[tilespmem:$0x10080] =	vst v63  }
0x128: {  	_ =	swait.ge @!p0 [sflag:s3], $0x400  }
0x129: {  	[sflag:s3] =	ssyncset.done @!p0 $0x0  }
0x12a: {  	s19 =	sand.u32 $0xFFFFFFE0, s17;
	s22 =	rddreg [dreg:$0x8];
	[sflag:s3] =	ssyncadd.s32 @!p0 $0xFFFFFC00  }
0x12b: {  	[hbm4b:s22+s26] =	stream.linear.scatter [tilespmem:s16], [sflag:$0x3], $0x8000, $0x38;
	[tilespmem:$0x10080] =	vst v63  }
0x12c: {  	p0 =	sne.s32 s19, $0x20;
	_ =	swait.ge [sflag:s5], $0x8000  }
0x12d: {  	s1 =	sshll.u32 @!p0 s18, $0x7;
	[sflag:s5] =	ssyncset.done $0x0  }
0x12e: {  	s3 =	sshll.u32 @!p0 s17, $0xA;
	s24 =	rddreg [dreg:$0x9];
	[sflag:s5] =	ssyncadd.s32 $0xFFFF8000  }
0x12f: {  	[tilespmem:s16], [sflag:$0x1] =	stream.linear.gather [hbm4b:s24+s26], $0x8000, $0x38;
	[tilespmem:$0x10080] =	vst v63  }
0x130: {  	s0 =	sand.u32 @!p0 $0x380, s1;
	s1 =	sand.u32 @!p0 $0x6000, s3;
	_ =	swait.ge [sflag:s14], $0x8000  }
0x131: {  	s0 =	sor.u32 @!p0 s0, s1;
	[sflag:s14] =	ssyncset.done $0x0  }
0x132: {  	s3 =	simm.s32 @!p0 $0x0;
	s1 =	sadd.s32 @!p0 $0x8080, s0;
	[sflag:s14] =	ssyncadd.s32 $0xFFFF8000  }
0x133: {  	[tilespmem:s1], [sflag:$0x5] =	stream.linear.gather @!p0 [hbm4b:s30+s3], $0x80, $0x38;
	[tilespmem:$0x10080] =	vst v63  }
0x134: {  	s1 =	sadd.s32 @!p0 $0x8480, s0  }
0x135: {  	[tilespmem:s1], [sflag:$0x5] =	stream.linear.gather @!p0 [hbm4b:s13+s3], $0x80, $0x38;
	[tilespmem:$0x10080] =	vst v63  }
0x136: {  	s1 =	sadd.s32 @!p0 $0x8880, s0  }
0x137: {  	[tilespmem:s1], [sflag:$0x5] =	stream.linear.gather @!p0 [hbm4b:s12+s3], $0x80, $0x38;
	[tilespmem:$0x10080] =	vst v63  }
0x138: {  	s1 =	sadd.s32 @!p0 $0x8C80, s0  }
0x139: {  	[tilespmem:s1], [sflag:$0x5] =	stream.linear.gather @!p0 [hbm4b:s11+s3], $0x80, $0x38;
	[tilespmem:$0x10080] =	vst v63  }
0x13a: {  	s1 =	sadd.s32 @!p0 $0x9080, s0  }
0x13b: {  	[tilespmem:s1], [sflag:$0x5] =	stream.linear.gather @!p0 [hbm4b:s10+s3], $0x80, $0x38;
	[tilespmem:$0x10080] =	vst v63  }
0x13c: {  	s1 =	sadd.s32 @!p0 $0x9480, s0  }
0x13d: {  	[tilespmem:s1], [sflag:$0x5] =	stream.linear.gather @!p0 [hbm4b:s9+s3], $0x80, $0x38;
	[tilespmem:$0x10080] =	vst v63  }
0x13e: {  	s1 =	sadd.s32 @!p0 $0x9880, s0  }
0x13f: {  	[tilespmem:s1], [sflag:$0x5] =	stream.linear.gather @!p0 [hbm4b:s8+s3], $0x80, $0x38;
	[tilespmem:$0x10080] =	vst v63  }
0x140: {  	s0 =	sadd.s32 @!p0 $0x9C80, s0  }
0x141: {  	[tilespmem:s0], [sflag:$0x5] =	stream.linear.gather @!p0 [hbm4b:s7+s3], $0x80, $0x38;
	[tilespmem:$0x10080] =	vst v63  }
0x142: {  	s0 =	simm.s32 @!p0 $0x5  }
0x143: {  	_ =	swait.ge @!p0 [sflag:s0], $0x400  }
0x144: {  	s21 =	simm.s32 $0x8080;
	[sflag:s0] =	ssyncset.done @!p0 $0x0  }
0x145: {  	s6 =	simm.s32 $0x4;
	s25 =	rddreg [dreg:$0xa];
	[sflag:s0] =	ssyncadd.s32 @!p0 $0xFFFFFC00  }
0x146: {  	[hbm4b:s25+s26] =	stream.linear.scatter [tilespmem:s21], [sflag:$0x4], $0x8000, $0x38;
	[tilespmem:$0x10080] =	vst v63  }
0x147: {  	p0 =	sne.s32 s19, $0x40;
	_ =	swait.ge [sflag:s6], $0x8000  }
0x148: {  	s0 =	sshll.u32 @!p0 s17, $0xA;
	[sflag:s6] =	ssyncset.done $0x0  }
0x149: {  	s1 =	sshll.u32 @!p0 s18, $0x7;
	s28 =	rddreg [dreg:$0xb];
	[sflag:s6] =	ssyncadd.s32 $0xFFFF8000  }
0x14a: {  	[tilespmem:s21], [sflag:$0x2] =	stream.linear.gather [hbm4b:s28+s26], $0x8000, $0x38;
	[tilespmem:$0x10080] =	vst v63  }
0x14b: {  	s0 =	sand.u32 @!p0 $0x6000, s0;
	s1 =	sand.u32 @!p0 $0x380, s1;
	_ =	swait.ge [sflag:s2], $0x8000  }
0x14c: {  	s0 =	sor.u32 @!p0 s1, s0;
	[sflag:s2] =	ssyncset.done $0x0  }
0x14d: {  	s3 =	simm.s32 @!p0 $0x0;
	s1 =	sadd.s32 @!p0 $0x80, s0;
	[sflag:s2] =	ssyncadd.s32 $0xFFFF8000  }
0x14e: {  	[tilespmem:s1], [sflag:$0x5] =	stream.linear.gather @!p0 [hbm4b:s30+s3], $0x80, $0x38;
	[tilespmem:$0x10080] =	vst v63  }
0x14f: {  	s1 =	sadd.s32 @!p0 $0x480, s0  }
0x150: {  	[tilespmem:s1], [sflag:$0x5] =	stream.linear.gather @!p0 [hbm4b:s13+s3], $0x80, $0x38;
	[tilespmem:$0x10080] =	vst v63  }
0x151: {  	s1 =	sadd.s32 @!p0 $0x880, s0  }
0x152: {  	[tilespmem:s1], [sflag:$0x5] =	stream.linear.gather @!p0 [hbm4b:s12+s3], $0x80, $0x38;
	[tilespmem:$0x10080] =	vst v63  }
0x153: {  	s1 =	sadd.s32 @!p0 $0xC80, s0  }
0x154: {  	[tilespmem:s1], [sflag:$0x5] =	stream.linear.gather @!p0 [hbm4b:s11+s3], $0x80, $0x38;
	[tilespmem:$0x10080] =	vst v63  }
0x155: {  	s1 =	sadd.s32 @!p0 $0x1080, s0  }
0x156: {  	[tilespmem:s1], [sflag:$0x5] =	stream.linear.gather @!p0 [hbm4b:s10+s3], $0x80, $0x38;
	[tilespmem:$0x10080] =	vst v63  }
0x157: {  	s1 =	sadd.s32 @!p0 $0x1480, s0  }
0x158: {  	[tilespmem:s1], [sflag:$0x5] =	stream.linear.gather @!p0 [hbm4b:s9+s3], $0x80, $0x38;
	[tilespmem:$0x10080] =	vst v63  }
0x159: {  	s1 =	sadd.s32 @!p0 $0x1880, s0  }
0x15a: {  	[tilespmem:s1], [sflag:$0x5] =	stream.linear.gather @!p0 [hbm4b:s8+s3], $0x80, $0x38;
	[tilespmem:$0x10080] =	vst v63  }
0x15b: {  	s0 =	sadd.s32 @!p0 $0x1C80, s0  }
0x15c: {  	[tilespmem:s0], [sflag:$0x5] =	stream.linear.gather @!p0 [hbm4b:s7+s3], $0x80, $0x38;
	[tilespmem:$0x10080] =	vst v63  }
0x15d: {  	s0 =	simm.s32 @!p0 $0x5  }
0x15e: {  	_ =	swait.ge @!p0 [sflag:s0], $0x400  }
0x15f: {  	[sflag:s0] =	ssyncset.done @!p0 $0x0  }
0x160: {  	s29 =	rddreg [dreg:$0xc];
	[sflag:s0] =	ssyncadd.s32 @!p0 $0xFFFFFC00;
	p0 =	sne.s32 s19, $0x60  }
0x161: {  	[hbm4b:s29+s26] =	stream.linear.scatter [tilespmem:s16], [sflag:$0x3], $0x8000, $0x38;
	[tilespmem:$0x10080] =	vst v63  }
0x162: {  	s0 =	sshll.u32 @!p0 s17, $0xA;
	s1 =	sshll.u32 @!p0 s18, $0x7  }
0x163: {  	s0 =	sand.u32 @!p0 $0x6000, s0;
	s1 =	sand.u32 @!p0 $0x380, s1;
	_ =	swait.ge [sflag:s14], $0x8000  }
0x164: {  	s0 =	sor.u32 @!p0 s1, s0;
	[sflag:s14] =	ssyncset.done $0x0  }
0x165: {  	s1 =	simm.s32 @!p0 $0x0;
	[sflag:s14] =	ssyncadd.s32 $0xFFFF8000;
	s3 =	sadd.s32 @!p0 $0x8080, s0  }
0x166: {  	[tilespmem:s3], [sflag:$0x5] =	stream.linear.gather @!p0 [hbm4b:s30+s1], $0x80, $0x38;
	[tilespmem:$0x10080] =	vst v63  }
0x167: {  	s3 =	sadd.s32 @!p0 $0x8480, s0  }
0x168: {  	[tilespmem:s3], [sflag:$0x5] =	stream.linear.gather @!p0 [hbm4b:s13+s1], $0x80, $0x38;
	[tilespmem:$0x10080] =	vst v63  }
0x169: {  	s3 =	sadd.s32 @!p0 $0x8880, s0  }
0x16a: {  	[tilespmem:s3], [sflag:$0x5] =	stream.linear.gather @!p0 [hbm4b:s12+s1], $0x80, $0x38;
	[tilespmem:$0x10080] =	vst v63  }
0x16b: {  	s3 =	sadd.s32 @!p0 $0x8C80, s0  }
0x16c: {  	[tilespmem:s3], [sflag:$0x5] =	stream.linear.gather @!p0 [hbm4b:s11+s1], $0x80, $0x38;
	[tilespmem:$0x10080] =	vst v63  }
0x16d: {  	s3 =	sadd.s32 @!p0 $0x9080, s0  }
0x16e: {  	[tilespmem:s3], [sflag:$0x5] =	stream.linear.gather @!p0 [hbm4b:s10+s1], $0x80, $0x38;
	[tilespmem:$0x10080] =	vst v63  }
0x16f: {  	s3 =	sadd.s32 @!p0 $0x9480, s0  }
0x170: {  	[tilespmem:s3], [sflag:$0x5] =	stream.linear.gather @!p0 [hbm4b:s9+s1], $0x80, $0x38;
	[tilespmem:$0x10080] =	vst v63  }
0x171: {  	s3 =	sadd.s32 @!p0 $0x9880, s0  }
0x172: {  	[tilespmem:s3], [sflag:$0x5] =	stream.linear.gather @!p0 [hbm4b:s8+s1], $0x80, $0x38;
	[tilespmem:$0x10080] =	vst v63  }
0x173: {  	s0 =	sadd.s32 @!p0 $0x9C80, s0  }
0x174: {  	[tilespmem:s0], [sflag:$0x5] =	stream.linear.gather @!p0 [hbm4b:s7+s1], $0x80, $0x38;
	[tilespmem:$0x10080] =	vst v63  }
0x175: {  	s0 =	simm.s32 @!p0 $0x5  }
0x176: {  	_ =	swait.ge @!p0 [sflag:s0], $0x400  }
0x177: {  	[sflag:s0] =	ssyncset.done @!p0 $0x0  }
0x178: {  	s31 =	rddreg [dreg:$0xd];
	[sflag:s0] =	ssyncadd.s32 @!p0 $0xFFFFFC00  }
0x179: {  	[hbm4b:s31+s26] =	stream.linear.scatter [tilespmem:s21], [sflag:$0x4], $0x8000, $0x38;
	[tilespmem:$0x10080] =	vst v63  }
0x17a: {  	_ =	swait.ge [sflag:s5], $0x8000  }
0x17b: {  	[sflag:s5] =	ssyncset.done $0x0  }
0x17c: {  	[sflag:s5] =	ssyncadd.s32 $0xFFFF8000  }
0x17d: {  	_ =	swait.ge [sflag:s6], $0x8000  }
0x17e: {  	[sflag:s6] =	ssyncset.done $0x0  }
0x17f: {  	[sflag:s6] =	ssyncadd.s32 $0xFFFF8000  }
0x180: {  	_ =	sfence.sel $0x180000  }
0x181: {  	[bflag:$0x0] =	sbarrier.arrive $0xFFFF  }
0x182: {  	p0 =	sne.s32 s23, $0x0;
	_ =	strace $0x90000047  }
0x183: {  	s0 =	sadd.s32 @!p0 $0x100000, s15;
	[bflag:$0x2] =	sbarrier.arrive $0xFFFF  }
0x184: {  	[sflag:s0] =	ssyncadd.tile.s32 @!p0 $0x1;
	_ =	shalt  }
.LBB2_2:
.Ltmp3:
0x185: {  	(pc) =	sbr.rel .LBB2_5-.Ltmp3, $2  }
0x186: {  	_ =	sdelay $0x2  }
0x187: {  	s15 =	rddreg [dreg:$0x4];
	s23 =	stileid.u32  }
.Lfunc_end2:
_tile_overlayer_lowered:
.L_overlay_start_2:
0x188: {  	(tag) =	ssettag $0x2  }
0x189: {  	s0 =	rddreg [dreg:$0x0];
	s2 =	stileid.u32  }
0x18a: {  	s1 =	rddreg [dreg:$0x1];
	p0 =	sne.s32 s2, $0x0  }
0x18b: {  	s3 =	rddreg [dreg:$0x2];
	[bflag:$0x3] =	sbarrier.arrive $0xFFFF;
	s2 =	simm.s32 @!p0 $0x1C05  }
0x18c: {  	[timem:s3], [sflag:s2] =	dma.local @!p0 [hbm:s0], s1  }
0x18d: {  	s0 =	simm.s32 @!p0 $0x5  }
0x18e: {  	_ =	swait.ge @!p0 [sflag:s0], s1  }
0x18f: {  	s1 =	ssub.s32 @!p0 $0x0, s1;
	[sflag:s0] =	ssyncset.done @!p0 $0x0  }
0x190: {  	[sflag:s0] =	ssyncadd.s32 @!p0 s1  }
0x191: {  	[bflag:$0x3] =	sbarrier.arrive $0xFFFF  }
0x192: {  	_ =	shalt  }

</sc_bundles>
